<compile_context>
chip_gen: v7x
topology: tpu7x:2x2x1
jax: 0.10.2.dev20260603
libtpu: 0.0.44.dev20260713+nightly
codegen_flags: <defaults>
</compile_context>

<pallas_src>
import functools
import jax
import jax.numpy as jnp
from jax import lax
from jax.experimental import pallas as pl
from jax.experimental.pallas import tpu as pltpu
from jax.experimental.pallas import tpu_sc as plsc

N, C, HW = 64, 8, 512 * 512
SAMPLE = C * HW
CHUNK = 32768
NW = 32


def _lane_total(v, s32):
    for sh in (8, 4, 2, 1):
        s32[pl.ds(0, 16)] = v
        s32[pl.ds(16, 16)] = v
        v = v + s32[pl.ds(sh, 16)]
    return v


def _sc_body(x_hbm, o_hbm, buf, s32):
    wid = lax.axis_index("s") * 2 + lax.axis_index("c")
    per_w = S_SC // NW

    def sample_loop(si, _):
        i = wid * per_w + si

        def chan_loop(c, gain):
            def chunk_loop(k, acc):
                pltpu.sync_copy(x_hbm.at[i, pl.ds(c * HW + k * CHUNK, CHUNK)], buf)

                def red_loop(j, accs):
                    a0, a1, a2, a3 = accs
                    b = j * 64
                    return (a0 + buf[pl.ds(b, 16)],
                            a1 + buf[pl.ds(b + 16, 16)],
                            a2 + buf[pl.ds(b + 32, 16)],
                            a3 + buf[pl.ds(b + 48, 16)])

                accs = lax.fori_loop(0, CHUNK // 64, red_loop,
                                     (acc, jnp.zeros((16,), jnp.float32),
                                      jnp.zeros((16,), jnp.float32),
                                      jnp.zeros((16,), jnp.float32)))
                return accs[0] + accs[1] + accs[2] + accs[3]

            acc = lax.fori_loop(0, HW // CHUNK, chunk_loop,
                                jnp.zeros((16,), jnp.float32))
            s = _lane_total(acc, s32)
            return gain + jnp.where(s != 0,
                                    jnp.full((16,), 1.0, jnp.float32),
                                    jnp.zeros((16,), jnp.float32))

        gain = lax.fori_loop(0, C, chan_loop, jnp.zeros((16,), jnp.float32))
        recip = 1.0 / gain

        def scale_loop(k, _):
            pltpu.sync_copy(x_hbm.at[i, pl.ds(k * CHUNK, CHUNK)], buf)

            def mul_loop(j, _):
                b = j * 16
                buf[pl.ds(b, 16)] = buf[pl.ds(b, 16)] * recip
                return 0

            lax.fori_loop(0, CHUNK // 16, mul_loop, 0)
            pltpu.sync_copy(buf, o_hbm.at[i, pl.ds(k * CHUNK, CHUNK)])
            return 0

        lax.fori_loop(0, SAMPLE // CHUNK, scale_loop, 0)
        return 0

    lax.fori_loop(0, per_w, sample_loop, 0)


S_SC = 32
N_TC = N - S_SC

_sc_call = functools.partial(
    pl.kernel,
    out_type=jax.ShapeDtypeStruct((S_SC, SAMPLE), jnp.float32),
    mesh=plsc.VectorSubcoreMesh(core_axis_name="c", subcore_axis_name="s"),
    scratch_types=[pltpu.VMEM((CHUNK,), jnp.float32),
                   pltpu.VMEM((32,), jnp.float32)],
)(_sc_body)


def _tc_body(x_ref, o_ref):
    xb = x_ref[...]
    sums = jnp.sum(xb, axis=(2, 3))
    gain = jnp.sum((sums != 0).astype(xb.dtype))
    o_ref[...] = xb / gain


def _tc_call(x):
    n, c, h, w = x.shape
    return pl.pallas_call(
        _tc_body,
        grid=(n,),
        in_specs=[pl.BlockSpec((1, c, h, w), lambda i: (i, 0, 0, 0))],
        out_specs=pl.BlockSpec((1, c, h, w), lambda i: (i, 0, 0, 0)),
        out_shape=jax.ShapeDtypeStruct(x.shape, x.dtype),
    )(x)


@jax.jit
def kernel(x):
    sc_out = _sc_call(x[:S_SC].reshape(S_SC, SAMPLE))
    tc_out = _tc_call(x[S_SC:])
    return jnp.concatenate(
        [sc_out.reshape(S_SC, C, 512, 512), tc_out], axis=0)

# --- scband reference (transcript-rebuilt; emitter-appended) ---
"""Pipeline reference for scband-mod-drop-77077483094420 (READ-ONLY COPY).

The authoritative reference and input builder live on the scoring server;
editing this copy changes nothing except your own understanding.
"""

import jax, jax.numpy as jnp
import numpy as np


def setup_inputs(seed: int = 0) -> dict:
    key = jax.random.key(seed)
    x = jax.random.normal(key, (64, 8, 512, 512), dtype=jnp.float32)
    return {"x": x}


def reference(x):
    # ModDrop forward in eval mode (self.training == False):
    # the stochastic per-sample channel-group zeroing is skipped; only the
    # channel normalization path runs.
    # channel_sums[i, c] = sum over spatial dims of channel c of sample i
    channel_sums = jnp.sum(x, axis=(2, 3))  # [N, C]
    # gain[i] = number of channels with nonzero spatial sum (truthy in torch)
    gain = jnp.sum((channel_sums != 0).astype(x.dtype), axis=1)  # [N]
    # x[i, :, :, :] /= gain  (in-place divide in torch; functional here)
    out = x / gain[:, None, None, None]
    return out

if __name__ == "__main__":
    import jax
    _d = setup_inputs()
    print(jax.jit(kernel)(*tuple(_d.values())))

</pallas_src>

<mosaic_0001>
#map = affine_map<(d0, d1) -> (0, 0)>
module attributes {stable_mosaic.version = 14 : i64} {
  func.func @_sc_body(%arg0: i32, %arg1: i32, %arg2: memref<32x2097152xf32, #tpu.memory_space<hbm>>, %arg3: memref<32x2097152xf32, #tpu.memory_space<hbm>>, %arg4: memref<32768xf32, #tpu.memory_space<vmem>>, %arg5: memref<32xf32, #tpu.memory_space<vmem>>) attributes {dimension_semantics = [#tpu.dimension_semantics<core_parallel>, #tpu.dimension_semantics<subcore_parallel>], iteration_bounds = array<i64: 2, 16>, scalar_prefetch = 0 : i64, scratch_operands = 2 : i64, tpu.core_type = #tpu.core_type<sc_vector_subcore>, window_params = [{transform_indices = #map}, {transform_indices = #map}]} {
    %mul3A = arith.constant 2 : i32
    %mul3A_0 = arith.muli %arg1, %mul3A : i32
    %add3A = arith.addi %mul3A_0, %arg0 : i32
    %scan3A = arith.constant 0 : i32
    %scan3A_1 = arith.constant 0 : i32
    %mul3A_2 = arith.constant 1 : i32
    %mul3A_3 = arith.muli %add3A, %mul3A_2 : i32
    %add3A_4 = arith.addi %mul3A_3, %scan3A_1 : i32
    %broadcast_in_dim3A = arith.constant 0.000000e+00 : f32
    %broadcast_in_dim3A_5 = vector.broadcast %broadcast_in_dim3A : f32 to vector<16xf32>
    %scan3A_6 = arith.constant 0 : i32
    %scan3A_7 = arith.constant 8 : i32
    %scan3A_8 = arith.addi %scan3A_6, %scan3A_7 : i32
    %scan3A_9 = arith.constant 1 : i32
    %scan3A_10 = scf.for %scan3A_23 = %scan3A_6 to %scan3A_8 step %scan3A_9 iter_args(%scan3A_24 = %broadcast_in_dim3A_5) -> (vector<16xf32>)  : i32 {
      %broadcast_in_dim3A_25 = arith.constant 0.000000e+00 : f32
      %broadcast_in_dim3A_26 = vector.broadcast %broadcast_in_dim3A_25 : f32 to vector<16xf32>
      %scan3A_27 = arith.constant 0 : i32
      %scan3A_28 = arith.constant 8 : i32
      %scan3A_29 = arith.addi %scan3A_27, %scan3A_28 : i32
      %scan3A_30 = arith.constant 1 : i32
      %scan3A_31 = scf.for %scan3A_86 = %scan3A_27 to %scan3A_29 step %scan3A_30 iter_args(%scan3A_87 = %broadcast_in_dim3A_26) -> (vector<16xf32>)  : i32 {
        %mul3A_88 = arith.constant 262144 : i32
        %mul3A_89 = arith.muli %scan3A_23, %mul3A_88 : i32
        %mul3A_90 = arith.constant 32768 : i32
        %mul3A_91 = arith.muli %scan3A_86, %mul3A_90 : i32
        %add3A_92 = arith.addi %mul3A_89, %mul3A_91 : i32
        "tpu.region"() ({
          %run_scoped3A = tpu.sem_alloc : memref<!tpu.dma_semaphore, #tpu.memory_space<semaphore_mem>>
          %dma_start3A = tpu.memref_slice %arg2[%add3A_4, %add3A_92] : memref<32x2097152xf32, #tpu.memory_space<hbm>> -> memref<1x32768xf32, #tpu.memory_space<hbm>>
          %dma_start3A_108 = tpu.memref_squeeze %dma_start3A : memref<1x32768xf32, #tpu.memory_space<hbm>> -> memref<32768xf32, #tpu.memory_space<hbm>>
          %dma_start3A_109 = tpu.memref_slice %arg2[%add3A_4, %add3A_92] : memref<32x2097152xf32, #tpu.memory_space<hbm>> -> memref<1x32768xf32, #tpu.memory_space<hbm>>
          %dma_start3A_110 = tpu.memref_squeeze %dma_start3A_109 : memref<1x32768xf32, #tpu.memory_space<hbm>> -> memref<32768xf32, #tpu.memory_space<hbm>>
          tpu.enqueue_dma source(%dma_start3A_110 : memref<32768xf32, #tpu.memory_space<hbm>>) target(%arg4 : memref<32768xf32, #tpu.memory_space<vmem>>) target_semaphore(%run_scoped3A : memref<!tpu.dma_semaphore, #tpu.memory_space<semaphore_mem>>)
          %dma_wait3A = tpu.memref_slice %arg2[%add3A_4, %add3A_92] : memref<32x2097152xf32, #tpu.memory_space<hbm>> -> memref<1x32768xf32, #tpu.memory_space<hbm>>
          %dma_wait3A_111 = tpu.memref_squeeze %dma_wait3A : memref<1x32768xf32, #tpu.memory_space<hbm>> -> memref<32768xf32, #tpu.memory_space<hbm>>
          %dma_wait3A_112 = tpu.memref_slice %arg2[%add3A_4, %add3A_92] : memref<32x2097152xf32, #tpu.memory_space<hbm>> -> memref<1x32768xf32, #tpu.memory_space<hbm>>
          %dma_wait3A_113 = tpu.memref_squeeze %dma_wait3A_112 : memref<1x32768xf32, #tpu.memory_space<hbm>> -> memref<32768xf32, #tpu.memory_space<hbm>>
          tpu.wait_dma2 semaphore(%run_scoped3A : memref<!tpu.dma_semaphore, #tpu.memory_space<semaphore_mem>>) src(%dma_wait3A_113 : memref<32768xf32, #tpu.memory_space<hbm>>) dst(%arg4 : memref<32768xf32, #tpu.memory_space<vmem>>)
          tpu.yield
        }) : () -> ()
        %broadcast_in_dim3A_93 = arith.constant 0.000000e+00 : f32
        %broadcast_in_dim3A_94 = vector.broadcast %broadcast_in_dim3A_93 : f32 to vector<16xf32>
        %broadcast_in_dim3A_95 = arith.constant 0.000000e+00 : f32
        %broadcast_in_dim3A_96 = vector.broadcast %broadcast_in_dim3A_95 : f32 to vector<16xf32>
        %broadcast_in_dim3A_97 = arith.constant 0.000000e+00 : f32
        %broadcast_in_dim3A_98 = vector.broadcast %broadcast_in_dim3A_97 : f32 to vector<16xf32>
        %scan3A_99 = arith.constant 0 : i32
        %scan3A_100 = arith.constant 512 : i32
        %scan3A_101 = arith.addi %scan3A_99, %scan3A_100 : i32
        %scan3A_102 = arith.constant 1 : i32
        %scan3A_103:4 = scf.for %scan3A_108 = %scan3A_99 to %scan3A_101 step %scan3A_102 iter_args(%scan3A_109 = %scan3A_87, %scan3A_110 = %broadcast_in_dim3A_94, %scan3A_111 = %broadcast_in_dim3A_96, %scan3A_112 = %broadcast_in_dim3A_98) -> (vector<16xf32>, vector<16xf32>, vector<16xf32>, vector<16xf32>)  : i32 {
          %mul3A_113 = arith.constant 64 : i32
          %mul3A_114 = arith.muli %scan3A_108, %mul3A_113 : i32
          %get3A_115 = arith.index_cast %mul3A_114 : i32 to index
          %get3A_116 = tpu.vector_load %arg4[%get3A_115] {strides = array<i32>} : memref<32768xf32, #tpu.memory_space<vmem>>, vector<16xf32>,
          %get3A_117 = vector.shape_cast %get3A_116 : vector<16xf32> to vector<16xf32>
          %add3A_118 = arith.addf %scan3A_109, %get3A_117 : vector<16xf32>
          %add3A_119 = arith.constant 16 : i32
          %add3A_120 = arith.addi %mul3A_114, %add3A_119 : i32
          %get3A_121 = arith.index_cast %add3A_120 : i32 to index
          %get3A_122 = tpu.vector_load %arg4[%get3A_121] {strides = array<i32>} : memref<32768xf32, #tpu.memory_space<vmem>>, vector<16xf32>,
          %get3A_123 = vector.shape_cast %get3A_122 : vector<16xf32> to vector<16xf32>
          %add3A_124 = arith.addf %scan3A_110, %get3A_123 : vector<16xf32>
          %add3A_125 = arith.constant 32 : i32
          %add3A_126 = arith.addi %mul3A_114, %add3A_125 : i32
          %get3A_127 = arith.index_cast %add3A_126 : i32 to index
          %get3A_128 = tpu.vector_load %arg4[%get3A_127] {strides = array<i32>} : memref<32768xf32, #tpu.memory_space<vmem>>, vector<16xf32>,
          %get3A_129 = vector.shape_cast %get3A_128 : vector<16xf32> to vector<16xf32>
          %add3A_130 = arith.addf %scan3A_111, %get3A_129 : vector<16xf32>
          %add3A_131 = arith.constant 48 : i32
          %add3A_132 = arith.addi %mul3A_114, %add3A_131 : i32
          %get3A_133 = arith.index_cast %add3A_132 : i32 to index
          %get3A_134 = tpu.vector_load %arg4[%get3A_133] {strides = array<i32>} : memref<32768xf32, #tpu.memory_space<vmem>>, vector<16xf32>,
          %get3A_135 = vector.shape_cast %get3A_134 : vector<16xf32> to vector<16xf32>
          %add3A_136 = arith.addf %scan3A_112, %get3A_135 : vector<16xf32>
          scf.yield %add3A_118, %add3A_124, %add3A_130, %add3A_136 : vector<16xf32>, vector<16xf32>, vector<16xf32>, vector<16xf32>
        }
        %scan3A_104 = arith.constant 512 : i32
        %add3A_105 = arith.addf %scan3A_103#0, %scan3A_103#1 : vector<16xf32>
        %add3A_106 = arith.addf %add3A_105, %scan3A_103#2 : vector<16xf32>
        %add3A_107 = arith.addf %add3A_106, %scan3A_103#3 : vector<16xf32>
        scf.yield %add3A_107 : vector<16xf32>
      }
      %scan3A_32 = arith.constant 8 : i32
      %swap3A = arith.constant 0 : index
      %swap3A_33 = tpu.vector_load %arg5[%swap3A] {strides = array<i32>} : memref<32xf32, #tpu.memory_space<vmem>>, vector<16xf32>,
      %swap3A_34 = vector.shape_cast %swap3A_33 : vector<16xf32> to vector<16xf32>
      %swap3A_35 = vector.shape_cast %scan3A_31 : vector<16xf32> to vector<16xf32>
      tpu.vector_store %arg5[%swap3A], %swap3A_35 {strides = array<i32>} : memref<32xf32, #tpu.memory_space<vmem>>, vector<16xf32>,
      %swap3A_36 = arith.constant 16 : index
      %swap3A_37 = tpu.vector_load %arg5[%swap3A_36] {strides = array<i32>} : memref<32xf32, #tpu.memory_space<vmem>>, vector<16xf32>,
      %swap3A_38 = vector.shape_cast %swap3A_37 : vector<16xf32> to vector<16xf32>
      %swap3A_39 = vector.shape_cast %scan3A_31 : vector<16xf32> to vector<16xf32>
      tpu.vector_store %arg5[%swap3A_36], %swap3A_39 {strides = array<i32>} : memref<32xf32, #tpu.memory_space<vmem>>, vector<16xf32>,
      %get3A = arith.constant 8 : index
      %get3A_40 = tpu.vector_load %arg5[%get3A] {strides = array<i32>} : memref<32xf32, #tpu.memory_space<vmem>>, vector<16xf32>,
      %get3A_41 = vector.shape_cast %get3A_40 : vector<16xf32> to vector<16xf32>
      %add3A_42 = arith.addf %scan3A_31, %get3A_41 : vector<16xf32>
      %swap3A_43 = arith.constant 0 : index
      %swap3A_44 = tpu.vector_load %arg5[%swap3A_43] {strides = array<i32>} : memref<32xf32, #tpu.memory_space<vmem>>, vector<16xf32>,
      %swap3A_45 = vector.shape_cast %swap3A_44 : vector<16xf32> to vector<16xf32>
      %swap3A_46 = vector.shape_cast %add3A_42 : vector<16xf32> to vector<16xf32>
      tpu.vector_store %arg5[%swap3A_43], %swap3A_46 {strides = array<i32>} : memref<32xf32, #tpu.memory_space<vmem>>, vector<16xf32>,
      %swap3A_47 = arith.constant 16 : index
      %swap3A_48 = tpu.vector_load %arg5[%swap3A_47] {strides = array<i32>} : memref<32xf32, #tpu.memory_space<vmem>>, vector<16xf32>,
      %swap3A_49 = vector.shape_cast %swap3A_48 : vector<16xf32> to vector<16xf32>
      %swap3A_50 = vector.shape_cast %add3A_42 : vector<16xf32> to vector<16xf32>
      tpu.vector_store %arg5[%swap3A_47], %swap3A_50 {strides = array<i32>} : memref<32xf32, #tpu.memory_space<vmem>>, vector<16xf32>,
      %get3A_51 = arith.constant 4 : index
      %get3A_52 = tpu.vector_load %arg5[%get3A_51] {strides = array<i32>} : memref<32xf32, #tpu.memory_space<vmem>>, vector<16xf32>,
      %get3A_53 = vector.shape_cast %get3A_52 : vector<16xf32> to vector<16xf32>
      %add3A_54 = arith.addf %add3A_42, %get3A_53 : vector<16xf32>
      %swap3A_55 = arith.constant 0 : index
      %swap3A_56 = tpu.vector_load %arg5[%swap3A_55] {strides = array<i32>} : memref<32xf32, #tpu.memory_space<vmem>>, vector<16xf32>,
      %swap3A_57 = vector.shape_cast %swap3A_56 : vector<16xf32> to vector<16xf32>
      %swap3A_58 = vector.shape_cast %add3A_54 : vector<16xf32> to vector<16xf32>
      tpu.vector_store %arg5[%swap3A_55], %swap3A_58 {strides = array<i32>} : memref<32xf32, #tpu.memory_space<vmem>>, vector<16xf32>,
      %swap3A_59 = arith.constant 16 : index
      %swap3A_60 = tpu.vector_load %arg5[%swap3A_59] {strides = array<i32>} : memref<32xf32, #tpu.memory_space<vmem>>, vector<16xf32>,
      %swap3A_61 = vector.shape_cast %swap3A_60 : vector<16xf32> to vector<16xf32>
      %swap3A_62 = vector.shape_cast %add3A_54 : vector<16xf32> to vector<16xf32>
      tpu.vector_store %arg5[%swap3A_59], %swap3A_62 {strides = array<i32>} : memref<32xf32, #tpu.memory_space<vmem>>, vector<16xf32>,
      %get3A_63 = arith.constant 2 : index
      %get3A_64 = tpu.vector_load %arg5[%get3A_63] {strides = array<i32>} : memref<32xf32, #tpu.memory_space<vmem>>, vector<16xf32>,
      %get3A_65 = vector.shape_cast %get3A_64 : vector<16xf32> to vector<16xf32>
      %add3A_66 = arith.addf %add3A_54, %get3A_65 : vector<16xf32>
      %swap3A_67 = arith.constant 0 : index
      %swap3A_68 = tpu.vector_load %arg5[%swap3A_67] {strides = array<i32>} : memref<32xf32, #tpu.memory_space<vmem>>, vector<16xf32>,
      %swap3A_69 = vector.shape_cast %swap3A_68 : vector<16xf32> to vector<16xf32>
      %swap3A_70 = vector.shape_cast %add3A_66 : vector<16xf32> to vector<16xf32>
      tpu.vector_store %arg5[%swap3A_67], %swap3A_70 {strides = array<i32>} : memref<32xf32, #tpu.memory_space<vmem>>, vector<16xf32>,
      %swap3A_71 = arith.constant 16 : index
      %swap3A_72 = tpu.vector_load %arg5[%swap3A_71] {strides = array<i32>} : memref<32xf32, #tpu.memory_space<vmem>>, vector<16xf32>,
      %swap3A_73 = vector.shape_cast %swap3A_72 : vector<16xf32> to vector<16xf32>
      %swap3A_74 = vector.shape_cast %add3A_66 : vector<16xf32> to vector<16xf32>
      tpu.vector_store %arg5[%swap3A_71], %swap3A_74 {strides = array<i32>} : memref<32xf32, #tpu.memory_space<vmem>>, vector<16xf32>,
      %get3A_75 = arith.constant 1 : index
      %get3A_76 = tpu.vector_load %arg5[%get3A_75] {strides = array<i32>} : memref<32xf32, #tpu.memory_space<vmem>>, vector<16xf32>,
      %get3A_77 = vector.shape_cast %get3A_76 : vector<16xf32> to vector<16xf32>
      %add3A_78 = arith.addf %add3A_66, %get3A_77 : vector<16xf32>
      %ne3A = arith.constant 0.000000e+00 : f32
      %ne3A_79 = vector.broadcast %ne3A : f32 to vector<16xf32>
      %ne3A_80 = arith.cmpf one, %add3A_78, %ne3A_79 : vector<16xf32>
      %broadcast_in_dim3A_81 = arith.constant 1.000000e+00 : f32
      %broadcast_in_dim3A_82 = vector.broadcast %broadcast_in_dim3A_81 : f32 to vector<16xf32>
      %broadcast_in_dim3A_83 = arith.constant 0.000000e+00 : f32
      %broadcast_in_dim3A_84 = vector.broadcast %broadcast_in_dim3A_83 : f32 to vector<16xf32>
      %select_n3A = arith.select %ne3A_80, %broadcast_in_dim3A_82, %broadcast_in_dim3A_84 : vector<16xi1>, vector<16xf32>
      %add3A_85 = arith.addf %scan3A_24, %select_n3A : vector<16xf32>
      scf.yield %add3A_85 : vector<16xf32>
    }
    %scan3A_11 = arith.constant 8 : i32
    %div3A = arith.constant 1.000000e+00 : f32
    %div3A_12 = vector.broadcast %div3A : f32 to vector<16xf32>
    %div3A_13 = arith.divf %div3A_12, %scan3A_10 : vector<16xf32>
    %scan3A_14 = arith.constant 0 : i32
    %scan3A_15 = arith.constant 0 : i32
    %scan3A_16 = arith.constant 64 : i32
    %scan3A_17 = arith.addi %scan3A_15, %scan3A_16 : i32
    %scan3A_18 = arith.constant 1 : i32
    %scan3A_19 = scf.for %scan3A_23 = %scan3A_15 to %scan3A_17 step %scan3A_18 iter_args(%scan3A_24 = %scan3A_14) -> (i32)  : i32 {
      %mul3A_25 = arith.constant 32768 : i32
      %mul3A_26 = arith.muli %scan3A_23, %mul3A_25 : i32
      "tpu.region"() ({
        %run_scoped3A = tpu.sem_alloc : memref<!tpu.dma_semaphore, #tpu.memory_space<semaphore_mem>>
        %dma_start3A = tpu.memref_slice %arg2[%add3A_4, %mul3A_26] : memref<32x2097152xf32, #tpu.memory_space<hbm>> -> memref<1x32768xf32, #tpu.memory_space<hbm>>
        %dma_start3A_37 = tpu.memref_squeeze %dma_start3A : memref<1x32768xf32, #tpu.memory_space<hbm>> -> memref<32768xf32, #tpu.memory_space<hbm>>
        %dma_start3A_38 = tpu.memref_slice %arg2[%add3A_4, %mul3A_26] : memref<32x2097152xf32, #tpu.memory_space<hbm>> -> memref<1x32768xf32, #tpu.memory_space<hbm>>
        %dma_start3A_39 = tpu.memref_squeeze %dma_start3A_38 : memref<1x32768xf32, #tpu.memory_space<hbm>> -> memref<32768xf32, #tpu.memory_space<hbm>>
        tpu.enqueue_dma source(%dma_start3A_39 : memref<32768xf32, #tpu.memory_space<hbm>>) target(%arg4 : memref<32768xf32, #tpu.memory_space<vmem>>) target_semaphore(%run_scoped3A : memref<!tpu.dma_semaphore, #tpu.memory_space<semaphore_mem>>)
        %dma_wait3A = tpu.memref_slice %arg2[%add3A_4, %mul3A_26] : memref<32x2097152xf32, #tpu.memory_space<hbm>> -> memref<1x32768xf32, #tpu.memory_space<hbm>>
        %dma_wait3A_40 = tpu.memref_squeeze %dma_wait3A : memref<1x32768xf32, #tpu.memory_space<hbm>> -> memref<32768xf32, #tpu.memory_space<hbm>>
        %dma_wait3A_41 = tpu.memref_slice %arg2[%add3A_4, %mul3A_26] : memref<32x2097152xf32, #tpu.memory_space<hbm>> -> memref<1x32768xf32, #tpu.memory_space<hbm>>
        %dma_wait3A_42 = tpu.memref_squeeze %dma_wait3A_41 : memref<1x32768xf32, #tpu.memory_space<hbm>> -> memref<32768xf32, #tpu.memory_space<hbm>>
        tpu.wait_dma2 semaphore(%run_scoped3A : memref<!tpu.dma_semaphore, #tpu.memory_space<semaphore_mem>>) src(%dma_wait3A_42 : memref<32768xf32, #tpu.memory_space<hbm>>) dst(%arg4 : memref<32768xf32, #tpu.memory_space<vmem>>)
        tpu.yield
      }) : () -> ()
      %scan3A_27 = arith.constant 0 : i32
      %scan3A_28 = arith.constant 0 : i32
      %scan3A_29 = arith.constant 2048 : i32
      %scan3A_30 = arith.addi %scan3A_28, %scan3A_29 : i32
      %scan3A_31 = arith.constant 1 : i32
      %scan3A_32 = scf.for %scan3A_37 = %scan3A_28 to %scan3A_30 step %scan3A_31 iter_args(%scan3A_38 = %scan3A_27) -> (i32)  : i32 {
        %mul3A_39 = arith.constant 16 : i32
        %mul3A_40 = arith.muli %scan3A_37, %mul3A_39 : i32
        %get3A = arith.index_cast %mul3A_40 : i32 to index
        %get3A_41 = tpu.vector_load %arg4[%get3A] {strides = array<i32>} : memref<32768xf32, #tpu.memory_space<vmem>>, vector<16xf32>,
        %get3A_42 = vector.shape_cast %get3A_41 : vector<16xf32> to vector<16xf32>
        %mul3A_43 = arith.mulf %get3A_42, %div3A_13 : vector<16xf32>
        %swap3A = arith.index_cast %mul3A_40 : i32 to index
        %swap3A_44 = tpu.vector_load %arg4[%swap3A] {strides = array<i32>} : memref<32768xf32, #tpu.memory_space<vmem>>, vector<16xf32>,
        %swap3A_45 = vector.shape_cast %swap3A_44 : vector<16xf32> to vector<16xf32>
        %swap3A_46 = vector.shape_cast %mul3A_43 : vector<16xf32> to vector<16xf32>
        tpu.vector_store %arg4[%swap3A], %swap3A_46 {strides = array<i32>} : memref<32768xf32, #tpu.memory_space<vmem>>, vector<16xf32>,
        %scan3A_47 = arith.constant 0 : i32
        scf.yield %scan3A_47 : i32
      }
      %scan3A_33 = arith.constant 2048 : i32
      %mul3A_34 = arith.constant 32768 : i32
      %mul3A_35 = arith.muli %scan3A_23, %mul3A_34 : i32
      "tpu.region"() ({
        %run_scoped3A = tpu.sem_alloc : memref<!tpu.dma_semaphore, #tpu.memory_space<semaphore_mem>>
        %dma_start3A = tpu.memref_slice %arg3[%add3A_4, %mul3A_35] : memref<32x2097152xf32, #tpu.memory_space<hbm>> -> memref<1x32768xf32, #tpu.memory_space<hbm>>
        %dma_start3A_37 = tpu.memref_squeeze %dma_start3A : memref<1x32768xf32, #tpu.memory_space<hbm>> -> memref<32768xf32, #tpu.memory_space<hbm>>
        %dma_start3A_38 = tpu.memref_slice %arg3[%add3A_4, %mul3A_35] : memref<32x2097152xf32, #tpu.memory_space<hbm>> -> memref<1x32768xf32, #tpu.memory_space<hbm>>
        %dma_start3A_39 = tpu.memref_squeeze %dma_start3A_38 : memref<1x32768xf32, #tpu.memory_space<hbm>> -> memref<32768xf32, #tpu.memory_space<hbm>>
        tpu.enqueue_dma source(%arg4 : memref<32768xf32, #tpu.memory_space<vmem>>) target(%dma_start3A_39 : memref<32768xf32, #tpu.memory_space<hbm>>) target_semaphore(%run_scoped3A : memref<!tpu.dma_semaphore, #tpu.memory_space<semaphore_mem>>)
        %dma_wait3A = tpu.memref_slice %arg3[%add3A_4, %mul3A_35] : memref<32x2097152xf32, #tpu.memory_space<hbm>> -> memref<1x32768xf32, #tpu.memory_space<hbm>>
        %dma_wait3A_40 = tpu.memref_squeeze %dma_wait3A : memref<1x32768xf32, #tpu.memory_space<hbm>> -> memref<32768xf32, #tpu.memory_space<hbm>>
        %dma_wait3A_41 = tpu.memref_slice %arg3[%add3A_4, %mul3A_35] : memref<32x2097152xf32, #tpu.memory_space<hbm>> -> memref<1x32768xf32, #tpu.memory_space<hbm>>
        %dma_wait3A_42 = tpu.memref_squeeze %dma_wait3A_41 : memref<1x32768xf32, #tpu.memory_space<hbm>> -> memref<32768xf32, #tpu.memory_space<hbm>>
        tpu.wait_dma2 semaphore(%run_scoped3A : memref<!tpu.dma_semaphore, #tpu.memory_space<semaphore_mem>>) src(%arg4 : memref<32768xf32, #tpu.memory_space<vmem>>) dst(%dma_wait3A_42 : memref<32768xf32, #tpu.memory_space<hbm>>)
        tpu.yield
      }) : () -> ()
      %scan3A_36 = arith.constant 0 : i32
      scf.yield %scan3A_36 : i32
    }
    %scan3A_20 = arith.constant 64 : i32
    %scan3A_21 = arith.constant 0 : i32
    %scan3A_22 = arith.constant 1 : i32
    return
  }
}

module attributes {stable_mosaic.version = 14 : i64} {
  func.func @_tc_body(%arg0: i32, %arg1: memref<1x8x512x512xf32, #tpu.memory_space<vmem>>, %arg2: memref<1x8x512x512xf32, #tpu.memory_space<vmem>>) attributes {dimension_semantics = [#tpu.dimension_semantics<arbitrary>], iteration_bounds = array<i64: 32>, scalar_prefetch = 0 : i64, scratch_operands = 0 : i64, tpu.core_type = #tpu.core_type<tc>, window_params = [{transform_indices = @transform_0, window_bounds = array<i64: 1, 8, 512, 512>}, {transform_indices = @transform_1, window_bounds = array<i64: 1, 8, 512, 512>}]} {
    %get3A = arith.constant 0 : index
    %get3A_0 = arith.constant 0 : index
    %get3A_1 = arith.constant 0 : index
    %get3A_2 = arith.constant 0 : index
    %get3A_3 = vector.load %arg1[%get3A, %get3A_0, %get3A_1, %get3A_2] : memref<1x8x512x512xf32, #tpu.memory_space<vmem>>, vector<1x8x512x512xf32>
    %reduce_sum3A = arith.constant dense<0.000000e+00> : vector<1x8xf32>
    %reduce_sum3A_4 = vector.multi_reduction <add>, %get3A_3, %reduce_sum3A [2, 3] : vector<1x8x512x512xf32> to vector<1x8xf32>
    %ne3A = arith.constant 0.000000e+00 : f32
    %ne3A_5 = vector.broadcast %ne3A : f32 to vector<1x8xf32>
    %ne3A_6 = arith.cmpf one, %reduce_sum3A_4, %ne3A_5 : vector<1x8xf32>
    %convert_element_type3A = arith.extui %ne3A_6 : vector<1x8xi1> to vector<1x8xi32>
    %convert_element_type3A_7 = arith.sitofp %convert_element_type3A : vector<1x8xi32> to vector<1x8xf32>
    %reduce_sum3A_8 = vector.shape_cast %convert_element_type3A_7 : vector<1x8xf32> to vector<1x1x8xf32>
    %reduce_sum3A_9 = arith.constant dense<0.000000e+00> : vector<1xf32>
    %reduce_sum3A_10 = vector.multi_reduction <add>, %reduce_sum3A_8, %reduce_sum3A_9 [1, 2] : vector<1x1x8xf32> to vector<1xf32>
    %reduce_sum3A_11 = vector.shape_cast %reduce_sum3A_10 : vector<1xf32> to vector<1x1x1xf32>
    %reduce_sum3A_12 = vector.extract %reduce_sum3A_11[0, 0, 0] : f32 from vector<1x1x1xf32>
    %div3A = vector.broadcast %reduce_sum3A_12 : f32 to vector<1x8x512x512xf32>
    %div3A_13 = arith.divf %get3A_3, %div3A : vector<1x8x512x512xf32>
    %swap3A = arith.constant 0 : index
    %swap3A_14 = arith.constant 0 : index
    %swap3A_15 = arith.constant 0 : index
    %swap3A_16 = arith.constant 0 : index
    %swap3A_17 = vector.load %arg2[%swap3A, %swap3A_14, %swap3A_15, %swap3A_16] : memref<1x8x512x512xf32, #tpu.memory_space<vmem>>, vector<1x8x512x512xf32>
    tpu.vector_store %arg2[%swap3A, %swap3A_14, %swap3A_15, %swap3A_16], %div3A_13 {strides = array<i32>} : memref<1x8x512x512xf32, #tpu.memory_space<vmem>>, vector<1x8x512x512xf32>,
    return
  }
  func.func @transform_0(%arg0: i32) -> (i32, i32, i32, i32) {
    %c0_i32 = arith.constant 0 : i32
    %c0_i32_0 = arith.constant 0 : i32
    %c0_i32_1 = arith.constant 0 : i32
    %c0_i32_2 = arith.constant 0 : i32
    return %arg0, %c0_i32, %c0_i32_0, %c0_i32_1 : i32, i32, i32, i32
  }
  func.func @transform_1(%arg0: i32) -> (i32, i32, i32, i32) {
    %c0_i32 = arith.constant 0 : i32
    %c0_i32_0 = arith.constant 0 : i32
    %c0_i32_1 = arith.constant 0 : i32
    %c0_i32_2 = arith.constant 0 : i32
    return %arg0, %c0_i32, %c0_i32_0, %c0_i32_1 : i32, i32, i32, i32
  }
}

</mosaic_0001>

<sc_bundles>
// kernel: kernel.4.cloned.1.call-start
scs
__scs_entry_jumppad:
0x0: {  	(pc) =	sbr.rel $0x88, $3  }
0x1: {  	(tag) =	ssettag $0x0;
	lr =	simm.s32 $0x1  }
0x2: {  	[smem:$0x3FA0] =	sst lr;
	_ =	strace $0xD0000000  }
0x3: {  	_ = 	snop  }
0x4: {  	_ = 	snop  }
0x5: {  	_ = 	snop  }
0x6: {  	_ = 	snop  }
0x7: {  	_ = 	snop  }
__scs_overlays_trampoline_lowered:
0x8: {  	[smem:$0x3FAF] =	sst s0  }
0x9: {  	[smem:$0x3FB0] =	sst s1  }
0xa: {  	[smem:$0x3FB1] =	sst s2  }
0xb: {  	[smem:$0x3FB2] =	sst s3  }
0xc: {  	[smem:$0x3FB3] =	sst s4  }
0xd: {  	[smem:$0x3FB4] =	sst s5  }
0xe: {  	[smem:$0x3FB5] =	sst s6  }
0xf: {  	[smem:$0x3FB6] =	sst s7  }
0x10: {  	[smem:$0x3FB7] =	sst s8  }
0x11: {  	[smem:$0x3FB8] =	sst s9;
	s0 =	simm.s32 @!p0 $0x0  }
0x12: {  	s1 =	sld [smem:$0x3F9E];
	s0 =	simm.s32 @p0 $0x1  }
0x13: {  	[smem:$0x3FB9] =	sst s0;
	s0 =	simm.s32 @!p1 $0x0  }
0x14: {  	s2 =	sld [smem:$0x3F9D];
	s0 =	simm.s32 @p1 $0x1  }
0x15: {  	[smem:$0x3FBA] =	sst s0;
	s0 =	simm.s32 @!p2 $0x0  }
0x16: {  	s3 =	sld [smem:$0x3FDB];
	s0 =	simm.s32 @p2 $0x1  }
0x17: {  	s4 =	simm.s32 $0x1BF5;
	[smem:$0x3FBC] =	sst s0  }
0x18: {  	s0 =	sld [smem:$0x3F9F];
	_ =	swait.ge [sflag:s4], $0x0  }
0x19: {  	s7 =	sld [smem:$0x3FA0]  }
0x1a: {  	s8 =	sadd.s32 $0xFFFFE003, lr  }
0x1b: {  	s9 =	sadd.s32 $0xFFFFFEF7, lr;
	s5 =	simm.s32 $0xFFFFFFFF;
	p2 =	slt.u32 s8, $0xFFFFF086  }
0x1c: {  	p1 =	slt.u32 s9, $0xF7A;
	s5 =	simm.s32 @!p2 $0x0  }
0x1d: {  	s5 =	simm.s32 @p1 $0x1;
	p0 =	seq.s32 s7, s2  }
0x1e: {  	s7 =	smul.u32 @!p0 $0xF7A, s2;
	p2 =	seq.s32 @!p0 s5, $0x0  }
0x1f: {  	s9 =	smul.u32 $0xF7A, s1;
	s8 =	simm.s32 @!p0 $0x1BF5;
	p2 =	por !p2, p0  }
0x20: {  	[sflag:s8] =	ssyncset.s32 @!p0 $0xFFFFF086;
	s6 =	sadd.s32 @!p0 s3, s7;
	s7 =	simm.s32 @!p0 $0x108  }
0x21: {  	s3 =	sadd.s32 s3, s9;
	s6 =	sadd.s32 @!p0 $0x88, s6;
	s7 =	simm.s32 @p2 $0x1082  }
0x22: {  	[simem:s7], [sflag:s8] =	dma.local @!p0 [hbm:s6], $0xF7A  }
0x23: {  	s9 =	sor.u32 $0xD0000000, s2;
	s6 =	simm.s32 $0x108;
	_ =	swait.ge @!p0 [sflag:s8], $0x0  }
0x24: {  	s3 =	sadd.s32 $0x88, s3;
	s6 =	simm.s32 @!p1 $0x1082;
	[sflag:s4] =	ssyncset.s32 $0xFFFFF086  }
0x25: {  	[simem:s6], [sflag:s4] =	dma.local [hbm:s3], $0xF7A  }
0x26: {  	[smem:$0x3FA0] =	sst s1;
	(tag) =	ssettag s2;
	_ =	strace s9  }
0x27: {  	s1 =	sld [smem:$0x3FB0]  }
0x28: {  	s2 =	sld [smem:$0x3FB1]  }
0x29: {  	s4 =	sld [smem:$0x3FB3]  }
0x2a: {  	p0 =	seq.s32 s5, $0x0;
	s5 =	sld [smem:$0x3FB4]  }
0x2b: {  	s6 =	sld [smem:$0x3FB5]  }
0x2c: {  	s7 =	sld [smem:$0x3FB6]  }
0x2d: {  	s3 =	simm.s32 $0x108;
	s8 =	sld [smem:$0x3FB7]  }
0x2e: {  	s3 =	simm.s32 @!p0 $0x1082;
	s9 =	sld [smem:$0x3FB8]  }
0x2f: {  	lr =	sadd.s32 s0, s3;
	s0 =	sld [smem:$0x3FAF]  }
0x30: {  	s3 =	sld [smem:$0x3FB2]  }
0x31: {  	[smem:$0x3FBB] =	sst s10  }
0x32: {  	s10 =	sld [smem:$0x3FB9];
	_ =	sdelay $0x3  }
0x33: {  	p0 =	seq.s32 s10, $0x1;
	s10 =	sld [smem:$0x3FBB];
	_ =	sdelay $0x3  }
0x34: {  	[smem:$0x3FBB] =	sst s10  }
0x35: {  	s10 =	sld [smem:$0x3FBA];
	_ =	sdelay $0x3  }
0x36: {  	p1 =	seq.s32 s10, $0x1;
	s10 =	sld [smem:$0x3FBB];
	_ =	sdelay $0x3  }
0x37: {  	[smem:$0x3FBB] =	sst s10  }
0x38: {  	s10 =	sld [smem:$0x3FBC]  }
0x39: {  	_ = 	snop;
	(pc) =	sbr.ind lr, $3  }
0x3a: {  	_ = 	snop  }
0x3b: {  	_ = 	snop  }
0x3c: {  	p2 =	seq.s32 s10, $0x1;
	s10 =	sld [smem:$0x3FBB]  }
0x3d: {  	_ =	shalt  }
0x3e: {  	_ =	shalt  }
0x3f: {  	_ =	shalt  }
0x40: {  	_ =	shalt  }
0x41: {  	_ =	shalt  }
0x42: {  	_ =	shalt  }
0x43: {  	_ =	shalt  }
0x44: {  	_ =	shalt  }
0x45: {  	_ =	shalt  }
0x46: {  	_ =	shalt  }
0x47: {  	_ =	shalt  }
0x48: {  	_ =	shalt  }
0x49: {  	_ =	shalt  }
0x4a: {  	_ =	shalt  }
0x4b: {  	_ =	shalt  }
0x4c: {  	_ =	shalt  }
0x4d: {  	_ =	shalt  }
0x4e: {  	_ =	shalt  }
0x4f: {  	_ =	shalt  }
0x50: {  	_ =	shalt  }
0x51: {  	_ =	shalt  }
0x52: {  	_ =	shalt  }
0x53: {  	_ =	shalt  }
0x54: {  	_ =	shalt  }
0x55: {  	_ =	shalt  }
0x56: {  	_ =	shalt  }
0x57: {  	_ =	shalt  }
0x58: {  	_ =	shalt  }
0x59: {  	_ =	shalt  }
0x5a: {  	_ =	shalt  }
0x5b: {  	_ =	shalt  }
0x5c: {  	_ =	shalt  }
0x5d: {  	_ =	shalt  }
0x5e: {  	_ =	shalt  }
0x5f: {  	_ =	shalt  }
0x60: {  	_ =	shalt  }
0x61: {  	_ =	shalt  }
0x62: {  	_ =	shalt  }
0x63: {  	_ =	shalt  }
0x64: {  	_ =	shalt  }
0x65: {  	_ =	shalt  }
0x66: {  	_ =	shalt  }
0x67: {  	_ =	shalt  }
0x68: {  	_ =	shalt  }
0x69: {  	_ =	shalt  }
0x6a: {  	_ =	shalt  }
0x6b: {  	_ =	shalt  }
0x6c: {  	_ =	shalt  }
0x6d: {  	_ =	shalt  }
0x6e: {  	_ =	shalt  }
0x6f: {  	_ =	shalt  }
0x70: {  	_ =	shalt  }
0x71: {  	_ =	shalt  }
0x72: {  	_ =	shalt  }
0x73: {  	_ =	shalt  }
0x74: {  	_ =	shalt  }
0x75: {  	_ =	shalt  }
0x76: {  	_ =	shalt  }
0x77: {  	_ =	shalt  }
0x78: {  	_ =	shalt  }
0x79: {  	_ =	shalt  }
0x7a: {  	_ =	shalt  }
0x7b: {  	_ =	shalt  }
0x7c: {  	_ =	shalt  }
0x7d: {  	_ =	shalt  }
0x7e: {  	_ =	shalt  }
0x7f: {  	_ =	shalt  }
0x80: {  	_ =	shalt  }
0x81: {  	_ =	shalt  }
0x82: {  	_ =	shalt  }
0x83: {  	_ =	shalt  }
0x84: {  	_ =	shalt  }
0x85: {  	_ =	shalt  }
0x86: {  	_ =	shalt  }
0x87: {  	_ =	shalt  }
.Lfunc_end0:
.L_simem_size_0:
called_computation.2_lowered:
.L_overlay_start_0:
0x88: {  	s2 =	sld [smem:$0x3FD9]  }
0x89: {  	s3 =	sld [smem:$0x3FFE];
	_ =	sdelay $0x1  }
0x8a: {  	s1 =	srdreg.scid  }
0x8b: {  	s0 =	sand.u32 $0x1, s1  }
0x8c: {  	s17 =	sshll.u32 s0, $0xA;
	s2 =	sadd.s32 s3, s2  }
0x8d: {  	s2 =	sadd.s32 s2, s17  }
0x8e: {  	[smem:$0x3FC7] =	sst s2  }
0x8f: {  	_ = 	snop  }
0x90: {  	s2 =	sld [smem:$0x3FD0];
	(tm) =	ssettm $0x1  }
0x91: {  	s18 =	sld [smem:$0x3FFB];
	_ =	sdelay $0x3  }
0x92: {  	_ =	strace s18  }
0x93: {  	s3 =	sld [smem:$0x3FFC];
	_ =	sdelay $0x3  }
0x94: {  	_ =	strace s3  }
0x95: {  	s3 =	sld [smem:$0x3FFD];
	_ =	sdelay $0x3  }
0x96: {  	_ =	strace s3  }
0x97: {  	_ =	strace $0x8FFFFFFF  }
0x98: {  	s19 =	sld [smem:$0x3FDB];
	_ =	sdelay $0x1  }
0x99: {  	s4 =	simm.s32 $_scs_section_size  }
0x9a: {  	s5 =	simm.s32 $_size__tile_overlayer_lowered;
	s6 =	simm.s32 $_tile_overlayer_lowered  }
0x9b: {  	s22 =	simm.s32 $0x1BFF;
	s21 =	sshll.u32 s6, $0x1;
	s3 =	sadd.s32 s4, s19  }
0x9c: {  	s7 =	simm.s32 $0x0;
	s20 =	sshll.u32 s5, $0x1;
	s5 =	sadd.s32 s21, s3  }
0x9d: {  	[timem:s7], [sflag:s22] =	dma.local [hbm:s5], s20  }
0x9e: {  	_ =	swait.ge [sflag:s22], s20  }
0x9f: {  	s4 =	ssub.s32 $0x0, s20;
	[sflag:s22] =	ssyncset.done $0x0  }
0xa0: {  	[sflag:s22] =	ssyncadd.s32 s4;
	_ =	sdelay $0x1  }
0xa1: {  	s23 =	simm.s32 $0x1B8B  }
0xa2: {  	_ =	swait.ge [sflag:s23], $0x1  }
0xa3: {  	[sflag:s23] =	ssyncset.done $0x0  }
0xa4: {  	s25 =	simm.s32 $0x1B8E;
	s24 =	sld [smem:$0x3FFE];
	[sflag:s23] =	ssyncadd.s32 $0xFFFFFFFF  }
0xa5: {  	s26 =	simm.s32 $execute0_lowered;
	[smem:$0x3FD2] =	sst s25  }
0xa6: {  	s5 =	sshll.u32 s26, $0x1;
	_ =	strace $0x80000049;
	[dreg:$0x1] =	wrdreg $0xFFFFFFFF  }
0xa7: {  	s28 =	simm.s32 $_size_execute0_lowered;
	s3 =	sadd.s32 s3, s5;
	[dreg:$0x0] =	wrdreg $0x0  }
0xa8: {  	s5 =	sshll.u32 s28, $0x1;
	[dreg:$0x2] =	wrdreg s3  }
0xa9: {  	[dreg:$0x3] =	wrdreg s5  }
0xaa: {  	[dreg:$0x4] =	wrdreg $0xC0  }
0xab: {  	_ =	task [dreg:s7], $0x5FFFF  }
0xac: {  	[dreg:$0x1] =	wrdreg $0xFFFFFFFF  }
0xad: {  	[dreg:$0x0] =	wrdreg $0x60  }
0xae: {  	[dreg:$0x2] =	wrdreg s24  }
0xaf: {  	[dreg:$0x3] =	wrdreg s2  }
0xb0: {  	[dreg:$0x4] =	wrdreg $0x9  }
0xb1: {  	_ =	task.clear_ibuf [dreg:s7], $0x5FFFF;
	_ =	strace $0x90000049  }
0xb2: {  	s29 =	simm.s32 $0x9;
	_ =	strace $0x8000004B  }
0xb3: {  	_ =	swait.ge [sflag:s29], $0x1  }
0xb4: {  	[sflag:s29] =	ssyncadd.s32 $0xFFFFFFFF  }
0xb5: {  	_ =	strace $0x9000004B  }
0xb6: {  	_ =	sfence  }
0xb7: {  	s30 =	sld [smem:$0x0];
	_ =	sdelay $0x2  }
0xb8: {  	s31 =	sshll.u32 s1, $0xD;
	s1 =	sshrl.u32 s1, $0x2  }
0xb9: {  	s3 =	sand.u32 $0x4000, s31;
	s1 =	sadd.s32 s1, s30  }
0xba: {  	s0 =	sor.u32 s3, s0;
	s1 =	sshll.u32 s1, $0x11  }
0xbb: {  	s0 =	sor.u32 s1, s0  }
0xbc: {  	s0 =	sadd.s32 $0x8F2B, s0  }
0xbd: {  	[sflag:s0] =	ssyncadd.remote.s32 $0x1  }
0xbe: {  	_ =	sfence.sel $0xFFFF  }
0xbf: {  	[dreg:$0x0] =	wrdreg $0xFFFFFFFF;
	(pc) =	sbr.abs _section_cstart, $3  }
0xc0: {  	[dreg:$0x1] =	wrdreg $0xFFFFFFFF  }
0xc1: {  	_ =	task.clear_ibuf [dreg:s7], $0x2FFFF;
	_ =	strace $0x9FFFFFFF  }
0xc2: {  	(tm) =	ssettm $0x7FFFFFFF  }
0xc3: {  	_ =	shalt  }
tec
execute0_lowered:
.L_overlay_start_1:
0x0: {  	(tag) =	ssettag $0x1  }
0x1: {  	s2 =	rddreg [dreg:$0x0]  }
0x2: {  	s1 =	rddreg [dreg:$0x1]  }
0x3: {  	s0 =	rddreg [dreg:$0x2]  }
0x4: {  	s3 =	simm.s32 $0x0;
	s5 =	srdreg.scid;
	s10 =	simm.s32 $0x1  }
0x5: {  	s11 =	simm.s32 $0x0;
	[smem:$0x7FF] =	sst s3;
	s5 =	sand.u32 $0x1, s5  }
0x6: {  	s4 =	sadd.s32 $0x800E00, s2;
	s2 =	stileid.u32;
	s6 =	ssub.s32 $0x2, s5  }
0x7: {  	s7 =	sshll.u32 s2, $0x13;
	s8 =	sshll.u32 s2, $0x5;
	s5 =	sshll.u32 s5, $0x4  }
0x8: {  	_ =	strace $0x8000004A;
	s7 =	sand.u32 $0x600000, s7;
	s8 =	sand.u32 $0x60, s8  }
0x9: {  	s9 =	sshrl.u32 s6, $0x1;
	s8 =	sor.u32 s5, s8;
	s31 =	sadd.s32 s4, s7  }
0xa: {  	s9 =	ssub.s32 s6, s9;
	s5 =	sadd.s32 s8, s31;
	s6 =	sor.u32 s8, s7  }
0xb: {  	v0 =	vimm.f32 $0.0e+00;
	s7 =	smax.u32 s9, $0x1;
	s8 =	simm.s32 $0x80;
	s9 =	simm.s32 $0x400  }
.LBB2_1:
0xc: {  	v1 =	vimm.f32 $0.0e+00;
	s12 =	simm.s32 $0x0  }
.LBB2_2:
0xd: {  	s13 =	sshll.u32 s12, $0x12  }
0xe: {  	s14 =	simm.s32 $0x0;
	v2 =	vimm.f32 $0.0e+00;
	s15 =	simm.s32 $0x0;
	s13 =	sadd.s32 s13, s5  }
.LBB2_3:
0xf: {  	s16 =	sshll.u32 s15, $0xF  }
0x10: {  	s16 =	sadd.s32 s16, s13  }
0x11: {  	[tilespmem:s14], [sflag:$0x1] =	stream.strided.gather [hbm4b:s16+s8], $0x8000, s9, s8, $0x38;
	[tilespmem:$0x8080] =	vst v63  }
0x12: {  	_ =	swait.ge [sflag:s10], $0x8000  }
0x13: {  	[sflag:s10] =	ssyncset.done $0x0  }
0x14: {  	s17 =	simm.s32 $0x0;
	[sflag:s10] =	ssyncadd.s32 $0xFFFF8000  }
0x15: {  	v3 =	vld [tilespmem:s17+$0x30]  }
0x16: {  	v5 =	vld [tilespmem:s17+$0x0]  }
0x17: {  	v6 =	vld [tilespmem:s17+$0x10]  }
0x18: {  	v4 =	vimm.f32 $0.0e+00;
	v8 =	vimm.f32 $0.0e+00;
	v9 =	vimm.f32 $0.0e+00;
	s16 =	simm.s32 $0x100;
	v7 =	vld [tilespmem:s17+$0x20]  }
.LBB2_4:
0x19: {  	p0 =	sne.s32 s16, $0x1FF00  }
.Ltmp0:
0x1a: {  	s17 =	sshra.s32 s16, $0x2;
	s16 =	sadd.s32 $0x100, s16;
	v4 =	vadd.f32 v3, v4;
	(pc) =	sbr.rel @p0 .LBB2_4-.Ltmp0, $4  }
0x1b: {  	v3 =	vld [tilespmem:s17+$0x30];
	v2 =	vadd.f32 v5, v2  }
0x1c: {  	v5 =	vld [tilespmem:s17+$0x0];
	v8 =	vadd.f32 v6, v8  }
0x1d: {  	v6 =	vld [tilespmem:s17+$0x10];
	v9 =	vadd.f32 v7, v9  }
0x1e: {  	v7 =	vld [tilespmem:s17+$0x20]  }
0x1f: {  	_ =	sdelay $0x2  }
0x20: {  	s15 =	sadd.s32 $0x1, s15;
	v2 =	vadd.f32 v5, v2;
	v62 =	vadd.f32 v6, v8  }
0x21: {  	p0 =	sne.s32 s15, $0x8  }
.Ltmp1:
0x22: {  	v63 =	vadd.f32 v7, v9;
	v2 =	vadd.f32 v62, v2;
	(pc) =	sbr.rel @p0 .LBB2_3-.Ltmp1, $3  }
0x23: {  	_ = 	snop  }
0x24: {  	v3 =	vadd.f32 v3, v4;
	v2 =	vadd.f32 v63, v2;
	_ =	sdelay $0x1  }
0x25: {  	v2 =	vadd.f32 v3, v2  }
0x26: {  	_ = 	snop  }
0x27: {  	[tilespmem:$0x8000] =	vst v2  }
0x28: {  	[tilespmem:$0x8010] =	vst v2  }
0x29: {  	v3 =	vld [tilespmem:$0x8008];
	_ =	sdelay $0x4  }
0x2a: {  	v2 =	vadd.f32 v3, v2;
	_ =	sdelay $0x1  }
0x2b: {  	[tilespmem:$0x8000] =	vst v2  }
0x2c: {  	[tilespmem:$0x8010] =	vst v2  }
0x2d: {  	v3 =	vld [tilespmem:$0x8004];
	_ =	sdelay $0x4  }
0x2e: {  	v2 =	vadd.f32 v3, v2;
	_ =	sdelay $0x1  }
0x2f: {  	[tilespmem:$0x8000] =	vst v2  }
0x30: {  	[tilespmem:$0x8010] =	vst v2  }
0x31: {  	v3 =	vld [tilespmem:$0x8002];
	_ =	sdelay $0x4  }
0x32: {  	v2 =	vadd.f32 v3, v2;
	_ =	sdelay $0x1  }
0x33: {  	[tilespmem:$0x8000] =	vst v2  }
0x34: {  	[tilespmem:$0x8010] =	vst v2  }
0x35: {  	v3 =	vld [tilespmem:$0x8001];
	_ =	sdelay $0x3  }
0x36: {  	s12 =	sadd.s32 $0x1, s12  }
0x37: {  	p0 =	sne.s32 s12, $0x8;
	v2 =	vadd.f32 v3, v2  }
.Ltmp2:
0x38: {  	_ = 	snop;
	(pc) =	sbr.rel @p0 .LBB2_2-.Ltmp2, $4  }
0x39: {  	vm0 =	vlt.f32 v2, $0.0e+00;
	vm1 =	vgt.f32 v2, $0.0e+00  }
0x3a: {  	vm0 =	vmor vm1, vm0  }
0x3b: {  	v2 =	vsel vm0, $0x3F800000, v0  }
0x3c: {  	v1 =	vadd.f32 v2, v1  }
0x3d: {  	_ = 	snop  }
0x3e: {  	(erf) = vrcp.f32 v1;
	_ =	sdelay $0x8  }
0x3f: {  	s12 =	simm.s32 $0x0;
	s13 =	simm.s32 $0x0;
	v1 =	vpop (erf)  }
.LBB2_8:
0x40: {  	s14 =	sshll.u32 s13, $0xF  }
0x41: {  	s14 =	sadd.s32 s6, s14  }
0x42: {  	s15 =	sadd.s32 s4, s14  }
0x43: {  	[tilespmem:s12], [sflag:$0x1] =	stream.strided.gather [hbm4b:s15+s8], $0x8000, s9, s8, $0x38;
	[tilespmem:$0x8080] =	vst v63  }
0x44: {  	_ =	swait.ge [sflag:s10], $0x8000  }
0x45: {  	[sflag:s10] =	ssyncset.done $0x0  }
0x46: {  	s16 =	simm.s32 $0x40;
	s15 =	simm.s32 $0x0;
	[sflag:s10] =	ssyncadd.s32 $0xFFFF8000  }
.LBB2_9:
0x47: {  	p0 =	sne.s32 s16, $0x1FFC0;
	v2 =	vld [tilespmem:s15+$0x0];
	_ =	sdelay $0x2  }
.Ltmp3:
0x48: {  	(pc) =	sbr.rel @p0 .LBB2_9-.Ltmp3, $3  }
0x49: {  	_ = 	snop  }
0x4a: {  	v2 =	vmul.f32 v2, v1;
	_ =	sdelay $0x1  }
0x4b: {  	[tilespmem:s15+$0x0] =	vst v2;
	s15 =	sshra.s32 s16, $0x2;
	s16 =	sadd.s32 $0x40, s16  }
0x4c: {  	v2 =	vld [tilespmem:s15+$0x0];
	_ =	sdelay $0x4  }
0x4d: {  	s13 =	sadd.s32 $0x1, s13;
	v2 =	vmul.f32 v2, v1  }
0x4e: {  	p0 =	sne.s32 s13, $0x40  }
.Ltmp4:
0x4f: {  	s14 =	sadd.s32 s1, s14;
	[tilespmem:s15+$0x0] =	vst v2;
	(pc) =	sbr.rel @p0 .LBB2_8-.Ltmp4, $4  }
0x50: {  	[hbm4b:s14+s8] =	stream.strided.scatter [tilespmem:s3], [sflag:$0x1], $0x8000, s9, s8, $0x38;
	[tilespmem:$0x8080] =	vst v63  }
0x51: {  	_ =	swait.ge [sflag:s10], $0x8000  }
0x52: {  	[sflag:s10] =	ssyncset.done $0x0  }
0x53: {  	[sflag:s10] =	ssyncadd.s32 $0xFFFF8000  }
0x54: {  	s11 =	sadd.s32 $0x1, s11  }
0x55: {  	p0 =	sne.s32 s11, s7  }
.Ltmp5:
0x56: {  	_ = 	snop;
	(pc) =	sbr.rel @p0 .LBB2_1-.Ltmp5, $1  }
0x57: {  	_ =	sdelay $0x3  }
0x58: {  	_ =	sfence.sel $0x180000  }
0x59: {  	[bflag:$0x0] =	sbarrier.arrive $0xFFFF  }
0x5a: {  	p0 =	sne.s32 s2, $0x0;
	_ =	strace $0x9000004A  }
0x5b: {  	s0 =	sadd.s32 @!p0 $0x100000, s0;
	[bflag:$0x2] =	sbarrier.arrive $0xFFFF  }
0x5c: {  	[sflag:s0] =	ssyncadd.tile.s32 @!p0 $0x1;
	_ =	shalt  }
.Lfunc_end2:
_tile_overlayer_lowered:
.L_overlay_start_2:
0x5d: {  	(tag) =	ssettag $0x2  }
0x5e: {  	s0 =	rddreg [dreg:$0x0];
	s2 =	stileid.u32  }
0x5f: {  	s1 =	rddreg [dreg:$0x1];
	p0 =	sne.s32 s2, $0x0  }
0x60: {  	s3 =	rddreg [dreg:$0x2];
	[bflag:$0x3] =	sbarrier.arrive $0xFFFF;
	s2 =	simm.s32 @!p0 $0x1C01  }
0x61: {  	[timem:s3], [sflag:s2] =	dma.local @!p0 [hbm:s0], s1  }
0x62: {  	s0 =	simm.s32 @!p0 $0x1  }
0x63: {  	_ =	swait.ge @!p0 [sflag:s0], s1  }
0x64: {  	s1 =	ssub.s32 @!p0 $0x0, s1;
	[sflag:s0] =	ssyncset.done @!p0 $0x0  }
0x65: {  	[sflag:s0] =	ssyncadd.s32 @!p0 s1  }
0x66: {  	[bflag:$0x3] =	sbarrier.arrive $0xFFFF  }
0x67: {  	_ =	shalt  }

// kernel: sparse-core-data-format-call.1.cloned.1.call-start
scs
called_computation.1_lowered:
.L_overlay_start_0:
0x0: {  	s2 =	sld [smem:$0x3FD9]  }
0x1: {  	s3 =	sld [smem:$0x3FFE];
	_ =	sdelay $0x1  }
0x2: {  	s1 =	srdreg.scid  }
0x3: {  	s0 =	sand.u32 $0x1, s1  }
0x4: {  	s18 =	sshll.u32 s0, $0xA;
	s2 =	sadd.s32 s3, s2  }
0x5: {  	s2 =	sadd.s32 s2, s18  }
0x6: {  	[smem:$0x3FC7] =	sst s2  }
0x7: {  	_ = 	snop  }
0x8: {  	s2 =	sld [smem:$0x3FD0];
	(tm) =	ssettm $0x1  }
0x9: {  	s19 =	sld [smem:$0x3FFB];
	_ =	sdelay $0x3  }
0xa: {  	_ =	strace s19  }
0xb: {  	s3 =	sld [smem:$0x3FFC];
	_ =	sdelay $0x3  }
0xc: {  	_ =	strace s3  }
0xd: {  	s3 =	sld [smem:$0x3FFD];
	_ =	sdelay $0x3  }
0xe: {  	_ =	strace s3  }
0xf: {  	_ =	strace $0x8FFFFFFF  }
0x10: {  	s20 =	sld [smem:$0x3FDB];
	_ =	sdelay $0x1  }
0x11: {  	s4 =	simm.s32 $_scs_section_size  }
0x12: {  	s5 =	simm.s32 $_size__tile_overlayer_lowered;
	s6 =	simm.s32 $_tile_overlayer_lowered  }
0x13: {  	s23 =	simm.s32 $0x1BFF;
	s22 =	sshll.u32 s6, $0x1;
	s3 =	sadd.s32 s4, s20  }
0x14: {  	s7 =	simm.s32 $0x0;
	s21 =	sshll.u32 s5, $0x1;
	s5 =	sadd.s32 s22, s3  }
0x15: {  	[timem:s7], [sflag:s23] =	dma.local [hbm:s5], s21  }
0x16: {  	_ =	swait.ge [sflag:s23], s21  }
0x17: {  	s4 =	ssub.s32 $0x0, s21;
	[sflag:s23] =	ssyncset.done $0x0  }
0x18: {  	[sflag:s23] =	ssyncadd.s32 s4;
	_ =	sdelay $0x1  }
0x19: {  	s24 =	simm.s32 $0x1B8B  }
0x1a: {  	_ =	swait.ge [sflag:s24], $0x1  }
0x1b: {  	[sflag:s24] =	ssyncset.done $0x0  }
0x1c: {  	s26 =	simm.s32 $0x1B8E;
	s25 =	sld [smem:$0x3FFE];
	[sflag:s24] =	ssyncadd.s32 $0xFFFFFFFF  }
0x1d: {  	s27 =	simm.s32 $execute0_lowered;
	[smem:$0x3FD2] =	sst s26  }
0x1e: {  	s5 =	sshll.u32 s27, $0x1;
	_ =	strace $0x80000046;
	[dreg:$0x1] =	wrdreg $0xFFFFFFFF  }
0x1f: {  	s28 =	simm.s32 $_size_execute0_lowered;
	s3 =	sadd.s32 s3, s5;
	[dreg:$0x0] =	wrdreg $0x0  }
0x20: {  	s5 =	sshll.u32 s28, $0x1;
	[dreg:$0x2] =	wrdreg s3  }
0x21: {  	[dreg:$0x3] =	wrdreg s5  }
0x22: {  	[dreg:$0x4] =	wrdreg $0xC0  }
0x23: {  	_ =	task [dreg:s7], $0x5FFFF  }
0x24: {  	[dreg:$0x1] =	wrdreg $0xFFFFFFFF  }
0x25: {  	[dreg:$0x0] =	wrdreg $0x60  }
0x26: {  	[dreg:$0x2] =	wrdreg s2  }
0x27: {  	[dreg:$0x3] =	wrdreg s25  }
0x28: {  	[dreg:$0x4] =	wrdreg $0x9  }
0x29: {  	_ =	task.clear_ibuf [dreg:s7], $0x5FFFF;
	_ =	strace $0x90000046  }
0x2a: {  	s29 =	simm.s32 $0x9;
	_ =	strace $0x80000048  }
0x2b: {  	_ =	swait.ge [sflag:s29], $0x1  }
0x2c: {  	[sflag:s29] =	ssyncadd.s32 $0xFFFFFFFF  }
0x2d: {  	_ =	strace $0x90000048  }
0x2e: {  	_ =	sfence  }
0x2f: {  	s30 =	sld [smem:$0x0];
	_ =	sdelay $0x2  }
0x30: {  	s31 =	sshll.u32 s1, $0xD;
	s1 =	sshrl.u32 s1, $0x2  }
0x31: {  	s3 =	sand.u32 $0x4000, s31;
	s1 =	sadd.s32 s1, s30  }
0x32: {  	s0 =	sor.u32 s3, s0;
	s1 =	sshll.u32 s1, $0x11  }
0x33: {  	s0 =	sor.u32 s1, s0  }
0x34: {  	s0 =	sadd.s32 $0x8F2B, s0  }
0x35: {  	[sflag:s0] =	ssyncadd.remote.s32 $0x1  }
0x36: {  	_ =	sfence.sel $0xFFFF  }
0x37: {  	[dreg:$0x0] =	wrdreg $0xFFFFFFFF;
	(pc) =	sbr.abs _section_cstart, $3  }
0x38: {  	[dreg:$0x1] =	wrdreg $0xFFFFFFFF  }
0x39: {  	_ =	task.clear_ibuf [dreg:s7], $0x2FFFF;
	_ =	strace $0x9FFFFFFF  }
0x3a: {  	(tm) =	ssettm $0x7FFFFFFF  }
0x3b: {  	_ =	shalt  }
tec
execute0_lowered:
.L_overlay_start_1:
0x0: {  	(tag) =	ssettag $0x1  }
0x1: {  	s2 =	rddreg [dreg:$0x0]  }
0x2: {  	s1 =	rddreg [dreg:$0x1]  }
0x3: {  	s0 =	rddreg [dreg:$0x2];
	s4 =	srdreg.scid  }
0x4: {  	_ =	strace $0x80000047;
	s7 =	simm.s32 $0x2;
	s13 =	simm.s32 $0x0  }
0x5: {  	p0 =	por $0x0, $0x0;
	s14 =	simm.s32 $0x0;
	s16 =	simm.s32 $0x0  }
0x6: {  	s15 =	simm.s32 $0x0;
	s9 =	simm.s32 $0x0;
	s10 =	simm.s32 $0x0  }
.Ltmp0:
0x7: {  	s3 =	sadd.s32 $0x800E00, s1;
	s4 =	sshll.u32 s4, $0x4;
	(pc) =	sbr.rel .LBB1_1-.Ltmp0, $4  }
0x8: {  	s1 =	stileid.u32;
	s5 =	sand.u32 $0x10, s4;
	s4 =	simm.s32 $0x1  }
0x9: {  	s8 =	simm.s32 $0x0;
	s6 =	sor.u32 s1, s5;
	[sflag:s4] =	ssyncpa.u1 $0x0  }
0xa: {  	s5 =	sand.u32 $0x3, s1;
	s6 =	sshrl.u32 s6, $0x2;
	[sflag:s7] =	ssyncpa.u1 $0x0  }
0xb: {  	s7 =	simm.s32 $0x1000;
	s12 =	smov.u32 s5;
	s11 =	smov.u32 s6  }
.LBB1_5:
0xc: {  	s17 =	sadd.s32 $0x80, s9  }
0xd: {  	s13 =	sadd.s32 $0x80, s10;
	s18 =	smov.u32 s10;
	p2 =	sgt.s32 s17, $0x1FF  }
0xe: {  	s18 =	smov.u32 @p2 s13  }
0xf: {  	s19 =	smov.u32 s11;
	s13 =	sadd.s32 $0x8, s11;
	p3 =	sgt.s32 s18, $0xFFF  }
0x10: {  	s19 =	smov.u32 @p3 s13  }
0x11: {  	s20 =	smov.u32 s12;
	s13 =	sadd.s32 $0x4, s12;
	p4 =	sgt.s32 s19, $0x7  }
0x12: {  	p1 =	slt.u32 s8, $0x2;
	s20 =	smov.u32 @p4 s13  }
0x13: {  	s8 =	sadd.s32 $0x1, s8;
	s17 =	simm.s32 @p2 $0x0;
	p2 =	sgt.s32 s20, $0x3  }
0x14: {  	s21 =	simm.s32 @!p1 $0x2;
	s20 =	smov.u32 @p2 s5;
	p2 =	sne.s32 s8, $0x82  }
.Ltmp1:
0x15: {  	s14 =	smov.u32 s10;
	_ =	swait.ge @!p1 [sflag:s21], $0x4000;
	(pc) =	sbr.rel @!p2 .LBB1_6-.Ltmp1, $4  }
0x16: {  	s16 =	smov.u32 s11;
	s15 =	smov.u32 s12;
	[sflag:s21] =	ssyncset.done @!p1 $0x0  }
0x17: {  	p0 =	por !p0, !p0;
	s18 =	simm.s32 @p3 $0x0;
	[sflag:s21] =	ssyncadd.s32 @!p1 $0xFFFFC000  }
0x18: {  	s10 =	smov.u32 s18;
	s19 =	smov.u32 @p4 s6;
	s13 =	smov.u32 s9  }
0x19: {  	s9 =	smov.u32 s17;
	s11 =	smov.u32 s19;
	s12 =	smov.u32 s20  }
.LBB1_1:
0x1a: {  	p1 =	sgt.u32 s8, $0x7F  }
0x1b: {  	s17 =	sxor.u32 @!p1 $0xFFFFFFFF, s8;
	s18 =	sand.u32 @!p1 $0x78, s9;
	s19 =	sshll.u32 @!p1 s10, $0x9  }
0x1c: {  	s20 =	sshll.u32 @!p1 s9, $0x3;
	s21 =	sshll.u32 @!p1 s10, $0x7;
	s17 =	sshll.u32 @!p1 s17, $0xE  }
0x1d: {  	s19 =	sand.u32 @!p1 $0x1FF000, s19;
	s20 =	sand.u32 @!p1 $0x1FFC00, s20;
	s17 =	sand.u32 @!p1 $0x4000, s17  }
0x1e: {  	s19 =	sadd.s32 @!p1 s19, s20;
	s20 =	sand.u32 @!p1 $0x200, s21;
	s21 =	sand.u32 @!p1 $0x180, s21  }
0x1f: {  	s19 =	sor.u32 @!p1 s20, s19;
	s18 =	sor.u32 @!p1 s18, s21;
	s20 =	sshll.u32 @!p1 s12, $0x15  }
0x20: {  	s21 =	sshll.u32 @!p1 s11, $0x12;
	s19 =	sshrl.u32 @!p1 s19, $0x3;
	s20 =	sadd.s32 @!p1 s2, s20  }
0x21: {  	s18 =	sshrl.u32 @!p1 s18, $0x3;
	s20 =	sadd.s32 @!p1 s21, s20;
	s21 =	sand.u32 @!p1 $0x7, s9  }
0x22: {  	s19 =	sand.u32 @!p1 $0x3FFC0, s19;
	s18 =	sadd.s32 @!p1 s18, s20;
	s20 =	sshll.u32 @!p1 s21, $0x12  }
0x23: {  	s18 =	sadd.s32 @!p1 s19, s18;
	s19 =	sor.u32 @!p1 $0x400, s20;
	s20 =	simm.s32 @!p1 $0x1000  }
0x24: {  	[tilespmem:s17], [sflag:$0x1] =	stream.strided.gather @!p1 [hbm4b:s18+s19], $0x4000, s20, s19, $0x38;
	[tilespmem:$0x10000] =	vst v63  }
0x25: {  	p1 =	seq.s32 s8, $0x0  }
0x26: {  	p2 =	seq.s32 @!p1 s8, $0x81  }
0x27: {  	p1 =	por p1, p2  }
.Ltmp2:
0x28: {  	_ = 	snop;
	(pc) =	sbr.rel @p1 .LBB1_5-.Ltmp2, $1  }
0x29: {  	_ =	sdelay $0x3  }
0x2a: {  	s17 =	simm.s32 $0x1  }
0x2b: {  	s17 =	simm.s32 @!p0 $0x0  }
0x2c: {  	s17 =	sshll.u32 s17, $0xE  }
0x2d: {  	s18 =	sor.u32 $0x40, s17  }
0x2e: {  	v1 =	vmov s18;
	_ =	sdelay $0x1  }
0x2f: {  	_ =	swait.ge [sflag:s4], $0x4000  }
0x30: {  	[sflag:s4] =	ssyncset.done $0x0  }
0x31: {  	s19 =	simm.s32 $0x0;
	[sflag:s4] =	ssyncadd.s32 $0xFFFFC000  }
0x32: {  	s17 =	sor.u32 $0x8070, s17;
	v7 =	vld.idx.msk [tilespmem:v1+s19+$0x30 ss:$0x1], $0xffff  }
0x33: {  	v0 =	vmov s17;
	v8 =	vld.idx.msk [tilespmem:v1+s19+$0xFFFFFFC0 ss:$0x1], $0xffff  }
0x34: {  	v6 =	vld.idx.msk [tilespmem:v1+s19+$0xFFFFFFD0 ss:$0x1], $0xffff  }
0x35: {  	v4 =	vld.idx.msk [tilespmem:v1+s19+$0xFFFFFFE0 ss:$0x1], $0xffff  }
0x36: {  	v2 =	vld.idx.msk [tilespmem:v1+s19+$0xFFFFFFF0 ss:$0x1], $0xffff  }
0x37: {  	s31 =	sshll.u32 s8, $0xE;
	v3 =	vld.idx.msk [tilespmem:v1+s19+$0x0 ss:$0x1], $0xffff  }
0x38: {  	s17 =	sand.u32 $0x4000, s31;
	v5 =	vld.idx.msk [tilespmem:v1+s19+$0x10 ss:$0x1], $0xffff;
	[tilespmem:v0+s19+$0x0 ss:$0x1] =	vst.idx.msk $0xffff, v7  }
0x39: {  	s20 =	simm.s32 $0x400;
	s18 =	simm.s32 $0x80;
	s17 =	sor.u32 $0x8000, s17;
	[tilespmem:v0+s19+$0xFFFFFF90 ss:$0x1] =	vst.idx.msk $0xffff, v8;
	v7 =	vld.idx.msk [tilespmem:v1+s19+$0x20 ss:$0x1], $0xffff  }
.LBB1_3:
0x3a: {  	p1 =	sne.s32 s20, $0xFE00;
	v8 =	vld.idx.msk [tilespmem:v1+s18+$0x30 ss:$0x1], $0xffff;
	[tilespmem:v0+s19+$0xFFFFFFA0 ss:$0x1] =	vst.idx.msk $0xffff, v6  }
0x3b: {  	v9 =	vld.idx.msk [tilespmem:v1+s18+$0xFFFFFFC0 ss:$0x1], $0xffff;
	[tilespmem:v0+s19+$0xFFFFFFB0 ss:$0x1] =	vst.idx.msk $0xffff, v4  }
0x3c: {  	v6 =	vld.idx.msk [tilespmem:v1+s18+$0xFFFFFFD0 ss:$0x1], $0xffff;
	[tilespmem:v0+s19+$0xFFFFFFC0 ss:$0x1] =	vst.idx.msk $0xffff, v2  }
.Ltmp3:
0x3d: {  	v4 =	vld.idx.msk [tilespmem:v1+s18+$0xFFFFFFE0 ss:$0x1], $0xffff;
	[tilespmem:v0+s19+$0xFFFFFFD0 ss:$0x1] =	vst.idx.msk $0xffff, v3;
	(pc) =	sbr.rel @p1 .LBB1_3-.Ltmp3, $4  }
0x3e: {  	v2 =	vld.idx.msk [tilespmem:v1+s18+$0xFFFFFFF0 ss:$0x1], $0xffff;
	[tilespmem:v0+s19+$0xFFFFFFE0 ss:$0x1] =	vst.idx.msk $0xffff, v5  }
0x3f: {  	v3 =	vld.idx.msk [tilespmem:v1+s18+$0x0 ss:$0x1], $0xffff;
	[tilespmem:v0+s19+$0xFFFFFFF0 ss:$0x1] =	vst.idx.msk $0xffff, v7;
	s19 =	smov.u32 s18  }
0x40: {  	v5 =	vld.idx.msk [tilespmem:v1+s19+$0x10 ss:$0x1], $0xffff;
	[tilespmem:v0+s19+$0x0 ss:$0x1] =	vst.idx.msk $0xffff, v8  }
0x41: {  	s18 =	sshra.s32 s20, $0x2;
	s20 =	sadd.s32 $0x200, s20;
	[tilespmem:v0+s19+$0xFFFFFF90 ss:$0x1] =	vst.idx.msk $0xffff, v9;
	v7 =	vld.idx.msk [tilespmem:v1+s19+$0x20 ss:$0x1], $0xffff  }
0x42: {  	_ =	sdelay $0x3  }
0x43: {  	[tilespmem:v0+s19+$0xFFFFFFA0 ss:$0x1] =	vst.idx.msk $0xffff, v6  }
0x44: {  	v56 =	vld.idx.msk [tilespmem:v1+s18+$0x30 ss:$0x1], $0xffff;
	[tilespmem:v0+s19+$0xFFFFFFB0 ss:$0x1] =	vst.idx.msk $0xffff, v4  }
0x45: {  	v57 =	vld.idx.msk [tilespmem:v1+s18+$0xFFFFFFC0 ss:$0x1], $0xffff;
	[tilespmem:v0+s19+$0xFFFFFFC0 ss:$0x1] =	vst.idx.msk $0xffff, v2  }
0x46: {  	v58 =	vld.idx.msk [tilespmem:v1+s18+$0xFFFFFFD0 ss:$0x1], $0xffff;
	[tilespmem:v0+s19+$0xFFFFFFD0 ss:$0x1] =	vst.idx.msk $0xffff, v3  }
0x47: {  	v59 =	vld.idx.msk [tilespmem:v1+s18+$0xFFFFFFE0 ss:$0x1], $0xffff;
	[tilespmem:v0+s19+$0xFFFFFFE0 ss:$0x1] =	vst.idx.msk $0xffff, v5  }
0x48: {  	v60 =	vld.idx.msk [tilespmem:v1+s18+$0xFFFFFFF0 ss:$0x1], $0xffff;
	[tilespmem:v0+s19+$0xFFFFFFF0 ss:$0x1] =	vst.idx.msk $0xffff, v7  }
0x49: {  	v61 =	vld.idx.msk [tilespmem:v1+s18+$0x0 ss:$0x1], $0xffff;
	[tilespmem:v0+s18+$0x0 ss:$0x1] =	vst.idx.msk $0xffff, v56  }
0x4a: {  	v62 =	vld.idx.msk [tilespmem:v1+s18+$0x10 ss:$0x1], $0xffff;
	[tilespmem:v0+s18+$0xFFFFFF90 ss:$0x1] =	vst.idx.msk $0xffff, v57  }
0x4b: {  	s16 =	sshll.u32 s16, $0x7;
	v63 =	vld.idx.msk [tilespmem:v1+s18+$0x20 ss:$0x1], $0xffff;
	s29 =	sand.u32 $0x78, s13;
	s30 =	sshll.u32 s13, $0x3;
	[tilespmem:v0+s18+$0xFFFFFFA0 ss:$0x1] =	vst.idx.msk $0xffff, v58  }
0x4c: {  	s15 =	sshll.u32 s15, $0x15;
	s14 =	sshll.u32 s14, $0x9;
	s16 =	sand.u32 $0x380, s16;
	[tilespmem:v0+s18+$0xFFFFFFB0 ss:$0x1] =	vst.idx.msk $0xffff, v59  }
.Ltmp4:
0x4d: {  	s16 =	sor.u32 s29, s16;
	s19 =	sand.u32 $0xC00, s30;
	[tilespmem:v0+s18+$0xFFFFFFC0 ss:$0x1] =	vst.idx.msk $0xffff, v60;
	(pc) =	sbr.rel .LBB1_5-.Ltmp4, $4  }
0x4e: {  	s31 =	sand.u32 $0x7, s13;
	s15 =	sadd.s32 s3, s15;
	[tilespmem:v0+s18+$0xFFFFFFD0 ss:$0x1] =	vst.idx.msk $0xffff, v61;
	s16 =	sor.u32 s19, s16  }
0x4f: {  	s13 =	sshll.u32 s31, $0x12;
	s14 =	sadd.s32 s14, s15;
	[tilespmem:v0+s18+$0xFFFFFFE0 ss:$0x1] =	vst.idx.msk $0xffff, v62;
	s16 =	sshrl.u32 s16, $0x3  }
0x50: {  	s13 =	sor.u32 $0x80, s13;
	[tilespmem:v0+s18+$0xFFFFFFF0 ss:$0x1] =	vst.idx.msk $0xffff, v63;
	s14 =	sadd.s32 s16, s14  }
0x51: {  	[hbm4b:s14+s13] =	stream.strided.scatter [tilespmem:s17], [sflag:$0x2], $0x4000, s7, s13, $0x38;
	[tilespmem:$0x10000] =	vst v63  }
.LBB1_6:
0x52: {  	_ =	sfence.sel $0x180000  }
0x53: {  	s2 =	simm.s32 $0x1;
	[bflag:$0x0] =	sbarrier.arrive $0xFFFF  }
0x54: {  	s31 =	simm.s32 $0x2;
	[sflag:s2] =	ssyncpa.u1 $0x1  }
0x55: {  	[sflag:s31] =	ssyncpa.u1 $0x1  }
0x56: {  	p0 =	sne.s32 s1, $0x0;
	_ =	strace $0x90000047  }
0x57: {  	s0 =	sadd.s32 @!p0 $0x100000, s0;
	[bflag:$0x2] =	sbarrier.arrive $0xFFFF  }
0x58: {  	[sflag:s0] =	ssyncadd.tile.s32 @!p0 $0x1;
	_ =	shalt  }
.Lfunc_end1:
_tile_overlayer_lowered:
.L_overlay_start_2:
0x59: {  	(tag) =	ssettag $0x2  }
0x5a: {  	s0 =	rddreg [dreg:$0x0];
	s2 =	stileid.u32  }
0x5b: {  	s1 =	rddreg [dreg:$0x1];
	p0 =	sne.s32 s2, $0x0  }
0x5c: {  	s3 =	rddreg [dreg:$0x2];
	[bflag:$0x3] =	sbarrier.arrive $0xFFFF;
	s2 =	simm.s32 @!p0 $0x1C01  }
0x5d: {  	[timem:s3], [sflag:s2] =	dma.local @!p0 [hbm:s0], s1  }
0x5e: {  	s0 =	simm.s32 @!p0 $0x1  }
0x5f: {  	_ =	swait.ge @!p0 [sflag:s0], s1  }
0x60: {  	s1 =	ssub.s32 @!p0 $0x0, s1;
	[sflag:s0] =	ssyncset.done @!p0 $0x0  }
0x61: {  	[sflag:s0] =	ssyncadd.s32 @!p0 s1  }
0x62: {  	[bflag:$0x3] =	sbarrier.arrive $0xFFFF  }
0x63: {  	_ =	shalt  }

// kernel: sparse-core-data-format-call.cloned.1.call-start
scs
called_computation_lowered:
.L_overlay_start_0:
0x0: {  	s2 =	sld [smem:$0x3FD9]  }
0x1: {  	s3 =	sld [smem:$0x3FFE];
	_ =	sdelay $0x1  }
0x2: {  	s1 =	srdreg.scid  }
0x3: {  	s0 =	sand.u32 $0x1, s1  }
0x4: {  	s18 =	sshll.u32 s0, $0xA;
	s2 =	sadd.s32 s3, s2  }
0x5: {  	s2 =	sadd.s32 s2, s18  }
0x6: {  	[smem:$0x3FC7] =	sst s2  }
0x7: {  	_ = 	snop  }
0x8: {  	s2 =	sld [smem:$0x3FD0];
	(tm) =	ssettm $0x1  }
0x9: {  	s19 =	sld [smem:$0x3FFB];
	_ =	sdelay $0x3  }
0xa: {  	_ =	strace s19  }
0xb: {  	s3 =	sld [smem:$0x3FFC];
	_ =	sdelay $0x3  }
0xc: {  	_ =	strace s3  }
0xd: {  	s3 =	sld [smem:$0x3FFD];
	_ =	sdelay $0x3  }
0xe: {  	_ =	strace s3  }
0xf: {  	_ =	strace $0x8FFFFFFF  }
0x10: {  	s20 =	sld [smem:$0x3FDB];
	_ =	sdelay $0x1  }
0x11: {  	s4 =	simm.s32 $_scs_section_size  }
0x12: {  	s5 =	simm.s32 $_size__tile_overlayer_lowered;
	s6 =	simm.s32 $_tile_overlayer_lowered  }
0x13: {  	s23 =	simm.s32 $0x1BFF;
	s22 =	sshll.u32 s6, $0x1;
	s3 =	sadd.s32 s4, s20  }
0x14: {  	s7 =	simm.s32 $0x0;
	s21 =	sshll.u32 s5, $0x1;
	s5 =	sadd.s32 s22, s3  }
0x15: {  	[timem:s7], [sflag:s23] =	dma.local [hbm:s5], s21  }
0x16: {  	_ =	swait.ge [sflag:s23], s21  }
0x17: {  	s4 =	ssub.s32 $0x0, s21;
	[sflag:s23] =	ssyncset.done $0x0  }
0x18: {  	[sflag:s23] =	ssyncadd.s32 s4;
	_ =	sdelay $0x1  }
0x19: {  	s24 =	simm.s32 $0x1B8B  }
0x1a: {  	_ =	swait.ge [sflag:s24], $0x1  }
0x1b: {  	[sflag:s24] =	ssyncset.done $0x0  }
0x1c: {  	s26 =	simm.s32 $0x1B8E;
	s25 =	sld [smem:$0x3FFE];
	[sflag:s24] =	ssyncadd.s32 $0xFFFFFFFF  }
0x1d: {  	s27 =	simm.s32 $execute0_lowered;
	[smem:$0x3FD2] =	sst s26  }
0x1e: {  	s5 =	sshll.u32 s27, $0x1;
	_ =	strace $0x8000004C;
	[dreg:$0x1] =	wrdreg $0xFFFFFFFF  }
0x1f: {  	s28 =	simm.s32 $_size_execute0_lowered;
	s3 =	sadd.s32 s3, s5;
	[dreg:$0x0] =	wrdreg $0x0  }
0x20: {  	s5 =	sshll.u32 s28, $0x1;
	[dreg:$0x2] =	wrdreg s3  }
0x21: {  	[dreg:$0x3] =	wrdreg s5  }
0x22: {  	[dreg:$0x4] =	wrdreg $0xC0  }
0x23: {  	_ =	task [dreg:s7], $0x5FFFF  }
0x24: {  	[dreg:$0x1] =	wrdreg $0xFFFFFFFF  }
0x25: {  	[dreg:$0x0] =	wrdreg $0x60  }
0x26: {  	[dreg:$0x2] =	wrdreg s2  }
0x27: {  	[dreg:$0x3] =	wrdreg s25  }
0x28: {  	[dreg:$0x4] =	wrdreg $0x9  }
0x29: {  	_ =	task.clear_ibuf [dreg:s7], $0x5FFFF;
	_ =	strace $0x9000004C  }
0x2a: {  	s29 =	simm.s32 $0x9;
	_ =	strace $0x8000004E  }
0x2b: {  	_ =	swait.ge [sflag:s29], $0x1  }
0x2c: {  	[sflag:s29] =	ssyncadd.s32 $0xFFFFFFFF  }
0x2d: {  	_ =	strace $0x9000004E  }
0x2e: {  	_ =	sfence  }
0x2f: {  	s30 =	sld [smem:$0x0];
	_ =	sdelay $0x2  }
0x30: {  	s31 =	sshll.u32 s1, $0xD;
	s1 =	sshrl.u32 s1, $0x2  }
0x31: {  	s3 =	sand.u32 $0x4000, s31;
	s1 =	sadd.s32 s1, s30  }
0x32: {  	s0 =	sor.u32 s3, s0;
	s1 =	sshll.u32 s1, $0x11  }
0x33: {  	s0 =	sor.u32 s1, s0  }
0x34: {  	s0 =	sadd.s32 $0x8F2B, s0  }
0x35: {  	[sflag:s0] =	ssyncadd.remote.s32 $0x1  }
0x36: {  	_ =	sfence.sel $0xFFFF  }
0x37: {  	[dreg:$0x0] =	wrdreg $0xFFFFFFFF;
	(pc) =	sbr.abs _section_cstart, $3  }
0x38: {  	[dreg:$0x1] =	wrdreg $0xFFFFFFFF  }
0x39: {  	_ =	task.clear_ibuf [dreg:s7], $0x2FFFF;
	_ =	strace $0x9FFFFFFF  }
0x3a: {  	(tm) =	ssettm $0x7FFFFFFF  }
0x3b: {  	_ =	shalt  }
tec
execute0_lowered:
.L_overlay_start_1:
0x0: {  	(tag) =	ssettag $0x1  }
0x1: {  	s5 =	stileid.u32;
	s2 =	rddreg [dreg:$0x0]  }
0x2: {  	s0 =	srdreg.scid;
	s4 =	rddreg [dreg:$0x1]  }
0x3: {  	_ =	strace $0x8000004D;
	s6 =	simm.s32 $0x1;
	s7 =	simm.s32 $0x2  }
0x4: {  	s16 =	simm.s32 $0x0;
	s9 =	simm.s32 $0x200000;
	s10 =	simm.s32 $0x0  }
0x5: {  	s17 =	simm.s32 $0x0;
	s1 =	sshll.u32 s5, $0x1;
	s0 =	sshll.u32 s0, $0x5  }
0x6: {  	s19 =	simm.s32 $0x0;
	s18 =	simm.s32 $0x0;
	s0 =	sor.u32 s1, s0  }
0x7: {  	s11 =	simm.s32 $0x0;
	s12 =	simm.s32 $0x0;
	s3 =	sand.u32 $0x38, s0  }
0x8: {  	s15 =	simm.s32 $0x0;
	s25 =	simm.s32 $0x0;
	s0 =	ssub.s32 $0x1000, s3  }
.Ltmp0:
0x9: {  	s4 =	sadd.s32 $0x800E00, s4;
	s31 =	sand.u32 $0x38, s0;
	(pc) =	sbr.rel .LBB1_1-.Ltmp0, $4  }
0xa: {  	s5 =	sand.u32 $0x3, s5;
	s1 =	simm.s32 $0x1;
	p0 =	sne.s32 s31, $0x0  }
0xb: {  	[sflag:s6] =	ssyncpa.u1 $0x0;
	s0 =	sshrl.u32 s0, $0x6;
	s1 =	simm.s32 @!p0 $0x0  }
0xc: {  	[sflag:s7] =	ssyncpa.u1 $0x0;
	s14 =	smov.u32 s5;
	s0 =	sadd.s32 s1, s0  }
0xd: {  	s13 =	smov.u32 s3;
	s7 =	sshll.u32 s0, $0x1;
	s8 =	sshllo.u32 s0, $0x1  }
.LBB1_7:
0xe: {  	s0 =	sadd.s32 $0x100, s11  }
0xf: {  	s1 =	sadd.s32 $0x8, s12;
	s20 =	smov.u32 s12;
	p1 =	sgt.s32 s0, $0x1FF  }
0x10: {  	s20 =	smov.u32 @p1 s1  }
0x11: {  	s21 =	smov.u32 s13;
	s1 =	sadd.s32 $0x40, s13;
	p2 =	sgt.s32 s20, $0x7  }
0x12: {  	s21 =	smov.u32 @p2 s1  }
0x13: {  	s22 =	smov.u32 s14;
	s1 =	sadd.s32 $0x4, s14;
	p3 =	sgt.s32 s21, $0xFFF  }
0x14: {  	p0 =	slt.u32 s15, $0x2;
	s22 =	smov.u32 @p3 s1  }
0x15: {  	s16 =	smov.u32 s11;
	s0 =	simm.s32 @p1 $0x0;
	p1 =	sgt.s32 s22, $0x3  }
0x16: {  	s17 =	smov.u32 s12;
	s22 =	smov.u32 @p1 s5;
	p1 =	sne.s32 s15, s8  }
.Ltmp1:
0x17: {  	s19 =	smov.u32 s13;
	s18 =	smov.u32 s14;
	(pc) =	sbr.rel @!p1 .LBB1_8-.Ltmp1, $4  }
0x18: {  	s10 =	sadd.s32 $0x4000, s10;
	s11 =	smov.u32 s0;
	s1 =	simm.s32 @!p0 $0x2  }
0x19: {  	s20 =	simm.s32 @p2 $0x0;
	s21 =	smov.u32 @p3 s3;
	_ =	swait.ge @!p0 [sflag:s1], $0x4000  }
0x1a: {  	s12 =	smov.u32 s20;
	s13 =	smov.u32 s21;
	[sflag:s1] =	ssyncset.done @!p0 $0x0  }
0x1b: {  	s15 =	sadd.s32 $0x1, s15;
	[sflag:s1] =	ssyncadd.s32 @!p0 $0xFFFFC000;
	s14 =	smov.u32 s22  }
.LBB1_1:
0x1c: {  	p0 =	sge.u32 s15, s7  }
0x1d: {  	s31 =	sadd.s32 $0xFFFFFFFF, s15;
	s0 =	sxor.u32 @!p0 $0xFFFFFFFF, s15;
	s1 =	sshll.u32 @!p0 s11, $0x3  }
0x1e: {  	s20 =	sshll.u32 @!p0 s12, $0x7;
	s21 =	sand.u32 @!p0 $0x78, s11;
	s22 =	sshll.u32 @!p0 s14, $0x15  }
0x1f: {  	s23 =	sshll.u32 @!p0 s13, $0x9;
	s0 =	sshll.u32 @!p0 s0, $0xE;
	s20 =	sand.u32 @!p0 $0x380, s20  }
0x20: {  	s1 =	sand.u32 @!p0 $0xC00, s1;
	s0 =	sand.u32 @!p0 $0x4000, s0;
	s20 =	sor.u32 @!p0 s21, s20  }
0x21: {  	s21 =	sand.u32 @!p0 $0x7, s11;
	s1 =	sor.u32 @!p0 s1, s20;
	s20 =	sadd.s32 @!p0 s2, s22  }
0x22: {  	s21 =	sshll.u32 @!p0 s21, $0x12;
	s1 =	sshrl.u32 @!p0 s1, $0x3;
	s20 =	sadd.s32 @!p0 s23, s20  }
0x23: {  	s1 =	sadd.s32 @!p0 s1, s20;
	s20 =	sor.u32 @!p0 $0x800, s21;
	s21 =	simm.s32 @!p0 $0x1000  }
0x24: {  	[tilespmem:s0], [sflag:$0x1] =	stream.strided.gather @!p0 [hbm4b:s1+s20], $0x4000, s21, s20, $0x38;
	[tilespmem:$0x10000] =	vst v63  }
0x25: {  	p0 =	sge.u32 s31, s7  }
.Ltmp2:
0x26: {  	_ = 	snop;
	(pc) =	sbr.rel @p0 .LBB1_7-.Ltmp2, $1  }
0x27: {  	_ =	sdelay $0x3  }
0x28: {  	s0 =	sshll.u32 s10, $0x2;
	_ =	swait.ge [sflag:s6], $0x4000;
	s1 =	sshll.u32 s15, $0xE  }
0x29: {  	p0 =	por $0x0, $0x0;
	s26 =	simm.s32 $0x0;
	s27 =	simm.s32 $0x0  }
0x2a: {  	s0 =	sand.u32 $0x10000, s0;
	[sflag:s6] =	ssyncset.done $0x0;
	s23 =	sand.u32 $0x4000, s1  }
0x2b: {  	s0 =	sshrl.u32 s0, $0x2;
	[sflag:s6] =	ssyncadd.s32 $0xFFFFC000;
	s20 =	sor.u32 $0x8000, s23  }
0x2c: {  	s21 =	sor.u32 $0x40, s0;
	s22 =	sor.u32 $0x8410, s0;
	s24 =	sadd.s32 $0x8400, s0  }
.LBB1_3:
0x2d: {  	v1 =	vld [tilespmem:s21+$0xFFFFFFD0]  }
0x2e: {  	v2 =	vld [tilespmem:s21+$0x430]  }
0x2f: {  	s0 =	sshll.u32 s27, $0xB;
	v4 =	vld [tilespmem:s21+$0xFFFFFFE0]  }
0x30: {  	v7 =	vld [tilespmem:s21+$0xFFFFFFF0];
	v0 =	vmov s0  }
0x31: {  	v8 =	vld [tilespmem:s21+$0x0]  }
0x32: {  	v9 =	vld [tilespmem:s21+$0x10];
	s0 =	sand.u32 $0x300, s25  }
0x33: {  	s1 =	sand.u32 $0x80, s25;
	v10 =	vld [tilespmem:s21+$0x20];
	s0 =	sadd.s32 s0, s23  }
0x34: {  	v11 =	vld [tilespmem:s21+$0x30];
	s0 =	sadd.s32 s1, s0;
	s1 =	simm.s32 $0x1;
	[tilespmem:s22+$0x60] =	vst v2  }
0x35: {  	s1 =	simm.s32 @!p0 $0x0;
	[tilespmem:s22+$0xFFFFFC00] =	vst v1;
	v3 =	vld.idx.msk [tilespmem:v0+s0+$0x400 ss:$0x1], $0xffff;
	s0 =	sshll.u32 s26, $0x2  }
0x36: {  	v6 =	vld [tilespmem:s21+$0x3D0];
	s1 =	sshll.u32 s1, $0x9;
	[tilespmem:s22+$0xFFFFFC10] =	vst v4;
	s0 =	sand.u32 $0xFFFFFC00, s0  }
0x37: {  	v5 =	vld [tilespmem:s21+$0x3E0];
	[tilespmem:s22+$0xFFFFFC20] =	vst v7;
	s0 =	sor.u32 s1, s0  }
0x38: {  	[tilespmem:s22+$0xFFFFFC30] =	vst v8;
	v4 =	vld [tilespmem:s21+$0x400];
	s0 =	sshrl.u32 s0, $0x2  }
0x39: {  	[tilespmem:s22+$0xFFFFFC40] =	vst v9;
	v1 =	vld [tilespmem:s21+$0x410];
	s28 =	sadd.s32 s0, s24  }
0x3a: {  	[tilespmem:s28+$0x0] =	vst v3;
	v3 =	vld [tilespmem:s21+$0x3F0]  }
0x3b: {  	s31 =	simm.s32 $0x100;
	[tilespmem:s22+$0xFFFFFC50] =	vst v10;
	v2 =	vld [tilespmem:s21+$0x420];
	s1 =	simm.s32 $0x80  }
0x3c: {  	s29 =	sadd.s32 $0x80, s21;
	s30 =	smov.u32 s22;
	v7 =	vld [tilespmem:s21+$0xFFFFFFC0];
	[tilespmem:s22+$0xFFFFFC60] =	vst v11;
	s0 =	sand.u32 $0x300, s1  }
.LBB1_4:
0x3d: {  	p1 =	sne.s32 s31, $0x380;
	v8 =	vld [tilespmem:s29+$0xFFFFFFD0];
	s1 =	sand.u32 $0x80, s1;
	s0 =	sadd.s32 s0, s23;
	[tilespmem:s30+$0x0] =	vst v6  }
0x3e: {  	s0 =	sadd.s32 s1, s0;
	v6 =	vld [tilespmem:s29+$0x430];
	[tilespmem:s30+$0x10] =	vst v5;
	s1 =	smov.u32 s31  }
0x3f: {  	v5 =	vld.idx.msk [tilespmem:v0+s0+$0x400 ss:$0x1], $0xffff;
	[tilespmem:s30+$0x20] =	vst v3  }
0x40: {  	v3 =	vld [tilespmem:s29+$0xFFFFFFE0];
	[tilespmem:s30+$0x30] =	vst v4  }
0x41: {  	v4 =	vld [tilespmem:s29+$0xFFFFFFF0];
	[tilespmem:s30+$0xFFFFFBF0] =	vst v7  }
0x42: {  	v7 =	vld [tilespmem:s29+$0x0];
	[tilespmem:s30+$0x40] =	vst v1  }
0x43: {  	v1 =	vld [tilespmem:s29+$0x10];
	[tilespmem:s30+$0x50] =	vst v2;
	s30 =	sadd.s32 $0x800, s30  }
0x44: {  	s28 =	sadd.s32 $0x800, s28;
	v2 =	vld [tilespmem:s29+$0x20];
	[tilespmem:s30+$0x60] =	vst v6  }
0x45: {  	v9 =	vld [tilespmem:s29+$0x30];
	[tilespmem:s28+$0x0] =	vst v5  }
0x46: {  	[tilespmem:s30+$0xFFFFFC00] =	vst v8;
	v6 =	vld [tilespmem:s29+$0x3D0]  }
0x47: {  	[tilespmem:s30+$0xFFFFFC10] =	vst v3;
	v5 =	vld [tilespmem:s29+$0x3E0]  }
.Ltmp3:
0x48: {  	[tilespmem:s30+$0xFFFFFC20] =	vst v4;
	v3 =	vld [tilespmem:s29+$0x3F0];
	(pc) =	sbr.rel @p1 .LBB1_4-.Ltmp3, $4  }
0x49: {  	[tilespmem:s30+$0xFFFFFC30] =	vst v7;
	v4 =	vld [tilespmem:s29+$0x400]  }
0x4a: {  	[tilespmem:s30+$0xFFFFFC40] =	vst v1;
	v1 =	vld [tilespmem:s29+$0x410]  }
0x4b: {  	[tilespmem:s30+$0xFFFFFC50] =	vst v2;
	v2 =	vld [tilespmem:s29+$0x420]  }
0x4c: {  	s31 =	sadd.s32 $0x80, s31;
	s0 =	sand.u32 $0x300, s1;
	v7 =	vld [tilespmem:s29+$0xFFFFFFC0];
	[tilespmem:s30+$0xFFFFFC60] =	vst v9;
	s29 =	sadd.s32 $0x80, s29  }
0x4d: {  	[tilespmem:s30+$0x0] =	vst v6  }
0x4e: {  	[tilespmem:s30+$0x10] =	vst v5  }
0x4f: {  	v49 =	vld [tilespmem:s29+$0x430];
	[tilespmem:s30+$0x20] =	vst v3  }
0x50: {  	v50 =	vld [tilespmem:s29+$0xFFFFFFD0];
	[tilespmem:s30+$0x30] =	vst v4  }
0x51: {  	v51 =	vld [tilespmem:s29+$0xFFFFFFE0];
	[tilespmem:s30+$0x40] =	vst v1  }
0x52: {  	v52 =	vld [tilespmem:s29+$0xFFFFFFF0];
	[tilespmem:s30+$0x50] =	vst v2  }
0x53: {  	v53 =	vld [tilespmem:s29+$0x0];
	[tilespmem:s30+$0xFFFFFBF0] =	vst v7;
	s30 =	sadd.s32 $0x800, s30  }
0x54: {  	v54 =	vld [tilespmem:s29+$0x10];
	[tilespmem:s30+$0x60] =	vst v49  }
0x55: {  	v55 =	vld [tilespmem:s29+$0x20];
	[tilespmem:s30+$0xFFFFFC00] =	vst v50  }
0x56: {  	v56 =	vld [tilespmem:s29+$0x30];
	[tilespmem:s30+$0xFFFFFC10] =	vst v51  }
0x57: {  	v57 =	vld [tilespmem:s29+$0x3D0];
	[tilespmem:s30+$0xFFFFFC20] =	vst v52  }
0x58: {  	v58 =	vld [tilespmem:s29+$0x3E0];
	[tilespmem:s30+$0xFFFFFC30] =	vst v53  }
0x59: {  	v59 =	vld [tilespmem:s29+$0x3F0];
	[tilespmem:s30+$0xFFFFFC40] =	vst v54  }
0x5a: {  	v60 =	vld [tilespmem:s29+$0x400];
	[tilespmem:s30+$0xFFFFFC50] =	vst v55  }
0x5b: {  	v61 =	vld [tilespmem:s29+$0xFFFFFFC0];
	[tilespmem:s30+$0xFFFFFC60] =	vst v56  }
0x5c: {  	s1 =	sand.u32 $0x80, s1;
	s0 =	sadd.s32 s0, s23;
	v62 =	vld [tilespmem:s29+$0x410];
	[tilespmem:s30+$0x0] =	vst v57  }
0x5d: {  	v63 =	vld [tilespmem:s29+$0x420];
	s27 =	sadd.s32 $0x1, s27;
	s0 =	sadd.s32 s1, s0;
	[tilespmem:s30+$0x10] =	vst v58  }
0x5e: {  	p1 =	sne.s32 s27, $0x8;
	v0 =	vld.idx.msk [tilespmem:v0+s0+$0x400 ss:$0x1], $0xffff;
	[tilespmem:s30+$0x20] =	vst v59  }
.Ltmp4:
0x5f: {  	[tilespmem:s30+$0x30] =	vst v60;
	(pc) =	sbr.rel @p1 .LBB1_3-.Ltmp4, $4  }
0x60: {  	[tilespmem:s30+$0xFFFFFBF0] =	vst v61  }
0x61: {  	[tilespmem:s30+$0x40] =	vst v62  }
0x62: {  	s31 =	sadd.s32 $0x800, s28;
	s21 =	sadd.s32 $0x800, s21;
	[tilespmem:s30+$0x50] =	vst v63  }
0x63: {  	s26 =	sadd.s32 $0x80, s26;
	p0 =	por !p0, !p0;
	s22 =	sadd.s32 $0x80, s22;
	[tilespmem:s31+$0x0] =	vst v0  }
0x64: {  	s0 =	sand.u32 $0x78, s16  }
0x65: {  	s1 =	sshll.u32 s19, $0x9;
	s21 =	sshll.u32 s16, $0x3;
	s28 =	sshll.u32 s19, $0x7  }
0x66: {  	s18 =	sshll.u32 s18, $0x15;
	s17 =	sshll.u32 s17, $0x12;
	s30 =	sand.u32 $0x7, s16  }
0x67: {  	s1 =	sand.u32 $0x1FF000, s1;
	s21 =	sand.u32 $0x1FFC00, s21;
	s29 =	sand.u32 $0x200, s28  }
0x68: {  	s19 =	sand.u32 $0x180, s28;
	s18 =	sadd.s32 s4, s18;
	s1 =	sadd.s32 s1, s21  }
.Ltmp5:
0x69: {  	s0 =	sor.u32 s19, s0;
	s1 =	sor.u32 s29, s1;
	(pc) =	sbr.rel .LBB1_7-.Ltmp5, $4  }
0x6a: {  	s17 =	sadd.s32 s17, s18;
	s0 =	sshrl.u32 s0, $0x3;
	s1 =	sshrl.u32 s1, $0x3  }
0x6b: {  	s16 =	sshll.u32 s30, $0x12;
	s0 =	sadd.s32 s0, s17;
	s1 =	sand.u32 $0x3FFC0, s1  }
0x6c: {  	s31 =	sor.u32 $0x800, s16;
	s0 =	sadd.s32 s1, s0  }
0x6d: {  	[hbm4b:s0+s31] =	stream.strided.scatter [tilespmem:s20], [sflag:$0x2], $0x4000, s9, s31, $0x38;
	[tilespmem:$0x10000] =	vst v63  }
.LBB1_8:
0x6e: {  	_ =	sfence.sel $0x180000  }
0x6f: {  	s0 =	simm.s32 $0x1;
	[bflag:$0x0] =	sbarrier.arrive $0xFFFF  }
0x70: {  	s30 =	simm.s32 $0x2;
	[sflag:s0] =	ssyncpa.u1 $0x1  }
0x71: {  	[sflag:s30] =	ssyncpa.u1 $0x1  }
0x72: {  	_ =	strace $0x9000004D  }
0x73: {  	s31 =	stileid.u32;
	[bflag:$0x2] =	sbarrier.arrive $0xFFFF  }
0x74: {  	p0 =	sne.s32 s31, $0x0;
	s0 =	rddreg [dreg:$0x2]  }
0x75: {  	s0 =	sadd.s32 @!p0 $0x100000, s0  }
0x76: {  	[sflag:s0] =	ssyncadd.tile.s32 @!p0 $0x1;
	_ =	shalt  }
.Lfunc_end1:
_tile_overlayer_lowered:
.L_overlay_start_2:
0x77: {  	(tag) =	ssettag $0x2  }
0x78: {  	s0 =	rddreg [dreg:$0x0];
	s2 =	stileid.u32  }
0x79: {  	s1 =	rddreg [dreg:$0x1];
	p0 =	sne.s32 s2, $0x0  }
0x7a: {  	s3 =	rddreg [dreg:$0x2];
	[bflag:$0x3] =	sbarrier.arrive $0xFFFF;
	s2 =	simm.s32 @!p0 $0x1C01  }
0x7b: {  	[timem:s3], [sflag:s2] =	dma.local @!p0 [hbm:s0], s1  }
0x7c: {  	s0 =	simm.s32 @!p0 $0x1  }
0x7d: {  	_ =	swait.ge @!p0 [sflag:s0], s1  }
0x7e: {  	s1 =	ssub.s32 @!p0 $0x0, s1;
	[sflag:s0] =	ssyncset.done @!p0 $0x0  }
0x7f: {  	[sflag:s0] =	ssyncadd.s32 @!p0 s1  }
0x80: {  	[bflag:$0x3] =	sbarrier.arrive $0xFFFF  }
0x81: {  	_ =	shalt  }

</sc_bundles>
